<compile_context>
chip_gen: v7x
topology: tpu7x:2x2x1
jax: 0.10.2.dev20260603
libtpu: 0.0.44.dev20260713+nightly
codegen_flags: <defaults>
</compile_context>

<pallas_src>
import functools

import jax
import jax.numpy as jnp
from jax import lax
from jax.experimental import pallas as pl
from jax.experimental.pallas import tpu as pltpu
from jax.experimental.pallas import tpu_sc as plsc

_N = 10000
_E = 320000
_D = 128
_NC = 2
_NS = 16
_CHUNK = 128
_CPT = 80
_EPT = _CPT * _CHUNK
_REAL_PT = _E // (_NC * _NS)
_PAD_PT = _EPT - _REAL_PT
_NPAD = 10112
_DPAD = 16384
_RPT = _NPAD // _NS
_PHC = 40


def _sc_agg_body(x_hbm, e3_hbm, tsrc_hbm, tdst_hbm, z2_hbm, z1_hbm, ones_hbm,
                 agg_out, dega_out, degb_out,
                 src_t, dst_t, rows0, rows1, ones_t, dbuf, acc, deg,
                 sem_g0, sem_g1, sem_d0, sem_d1):
    c = lax.axis_index("c")
    s = lax.axis_index("s")
    w = c * _NS + s

    pltpu.sync_copy(ones_hbm, ones_t)

    base = s * _RPT
    pltpu.sync_copy(z2_hbm, rows0)
    for kk in range(4):
        pltpu.sync_copy(rows0, acc.at[pl.ds(base + kk * 128, 128)])
    pltpu.sync_copy(rows0.at[pl.ds(0, _RPT - 512)],
                    acc.at[pl.ds(base + 512, _RPT - 512)])
    pltpu.sync_copy(z1_hbm, dbuf)
    pltpu.sync_copy(dbuf, deg.at[pl.ds(s * 1024, 1024)])
    plsc.subcore_barrier()

    for p in range(_CPT // _PHC):
        @pl.when(w < _NC * _NS - 1)
        def _():
            pltpu.sync_copy(e3_hbm.at[0, pl.ds(w * _CPT + p * _PHC, _PHC)],
                            src_t)
            pltpu.sync_copy(e3_hbm.at[1, pl.ds(w * _CPT + p * _PHC, _PHC)],
                            dst_t)

        @pl.when(w == _NC * _NS - 1)
        def _():
            pltpu.sync_copy(tsrc_hbm.at[pl.ds(p * _PHC, _PHC)], src_t)
            pltpu.sync_copy(tdst_hbm.at[pl.ds(p * _PHC, _PHC)], dst_t)
        pltpu.async_copy(x_hbm.at[src_t.at[0]], rows0, sem_g0)
        pltpu.async_copy(x_hbm.at[src_t.at[1]], rows1, sem_g1)

        @pl.loop(0, _PHC // 2)
        def _edge_chunk(i):
            j0 = 2 * i
            for rows, sem_g, sem_d, off in ((rows0, sem_g0, sem_d0, 0),
                                            (rows1, sem_g1, sem_d1, 1)):
                j = j0 + off
                pltpu.make_async_copy(x_hbm.at[src_t.at[j]], rows,
                                      sem_g).wait()

                @pl.when(j >= 2)
                def _():
                    pltpu.make_async_copy(ones_t, deg.at[dst_t.at[j - 2]],
                                          sem_d).wait()

                pltpu.async_copy(ones_t, deg.at[dst_t.at[j]], sem_d, add=True)
                pltpu.sync_copy(rows, acc.at[dst_t.at[j]], add=True)

                @pl.when(j + 2 < _PHC)
                def _():
                    pltpu.async_copy(x_hbm.at[src_t.at[j + 2]], rows, sem_g)

        pltpu.make_async_copy(ones_t, deg.at[dst_t.at[_PHC - 2]],
                              sem_d0).wait()
        pltpu.make_async_copy(ones_t, deg.at[dst_t.at[_PHC - 1]],
                              sem_d1).wait()

    plsc.subcore_barrier()

    for kk in range(4):
        pltpu.sync_copy(acc.at[pl.ds(base + kk * 128, 128)], rows0)
        pltpu.sync_copy(rows0, agg_out.at[c, pl.ds(base + kk * 128, 128)])
    pltpu.sync_copy(acc.at[pl.ds(base + 512, _RPT - 512)],
                    rows0.at[pl.ds(0, _RPT - 512)])
    pltpu.sync_copy(rows0.at[pl.ds(0, _RPT - 512)],
                    agg_out.at[c, pl.ds(base + 512, _RPT - 512)])
    pltpu.sync_copy(deg.at[pl.ds(s * 1024, 1024)], dbuf)

    @pl.when(c == 0)
    def _():
        pltpu.sync_copy(dbuf, dega_out.at[pl.ds(s * 1024, 1024)])

    @pl.when(c == 1)
    def _():
        pltpu.sync_copy(dbuf, degb_out.at[pl.ds(s * 1024, 1024)])


_sc_agg = functools.partial(
    pl.kernel,
    out_type=(jax.ShapeDtypeStruct((_NC, _NPAD, _D), jnp.float32),
              jax.ShapeDtypeStruct((_DPAD,), jnp.float32),
              jax.ShapeDtypeStruct((_DPAD,), jnp.float32)),
    mesh=plsc.VectorSubcoreMesh(core_axis_name="c", subcore_axis_name="s"),
    scratch_types=[
        pltpu.VMEM((_PHC, _CHUNK), jnp.int32),
        pltpu.VMEM((_PHC, _CHUNK), jnp.int32),
        pltpu.VMEM((_CHUNK, _D), jnp.float32),
        pltpu.VMEM((_CHUNK, _D), jnp.float32),
        pltpu.VMEM((_CHUNK,), jnp.float32),
        pltpu.VMEM((1024,), jnp.float32),
        pltpu.VMEM_SHARED((_NPAD, _D), jnp.float32),
        pltpu.VMEM_SHARED((_DPAD,), jnp.float32),
        pltpu.SemaphoreType.DMA,
        pltpu.SemaphoreType.DMA,
        pltpu.SemaphoreType.DMA,
        pltpu.SemaphoreType.DMA,
    ],
)(_sc_agg_body)


def _tc_mlp_body(agg_ref, dd_ref, w1, b1, wh, bh, wo, bo, out_ref):
    a = agg_ref[0] + agg_ref[1]
    h = a / jnp.maximum(dd_ref[...], 1.0)
    h = jnp.maximum(
        jnp.dot(h, w1[...], preferred_element_type=jnp.float32) + b1[...], 0.0)
    h = jnp.maximum(
        jnp.dot(h, wh[...], preferred_element_type=jnp.float32) + bh[...], 0.0)
    out_ref[...] = (
        jnp.dot(h, wo[...], preferred_element_type=jnp.float32) + bo[...])


_ROWS_BLK = 2000
_tc_mlp = pl.pallas_call(
    _tc_mlp_body,
    grid=(_N // _ROWS_BLK,),
    in_specs=[
        pl.BlockSpec((_NC, _ROWS_BLK, _D), lambda i: (0, i, 0)),
        pl.BlockSpec((_ROWS_BLK, _D), lambda i: (i, 0)),
        pl.BlockSpec((_D, _D), lambda i: (0, 0)),
        pl.BlockSpec((1, _D), lambda i: (0, 0)),
        pl.BlockSpec((_D, _D), lambda i: (0, 0)),
        pl.BlockSpec((1, _D), lambda i: (0, 0)),
        pl.BlockSpec((_D, _D), lambda i: (0, 0)),
        pl.BlockSpec((1, _D), lambda i: (0, 0)),
    ],
    out_specs=pl.BlockSpec((_ROWS_BLK, _D), lambda i: (i, 0)),
    out_shape=jax.ShapeDtypeStruct((_N, _D), jnp.float32),
)


def kernel(x, edge_index, W1, b1, Wh, bh, Wo, bo):
    nw = _NC * _NS
    e3 = edge_index.astype(jnp.int32).reshape(2, _E // _CHUNK, _CHUNK)
    ntail = _E - (nw - 1) * _EPT
    npad = _EPT - ntail
    pad_src = jnp.arange(npad, dtype=jnp.int32) % _N
    pad_dst = _N + (jnp.arange(npad, dtype=jnp.int32) % (_NPAD - _N))
    tail = edge_index[:, _E - ntail:].astype(jnp.int32)
    tsrc = jnp.concatenate([tail[0], pad_src]).reshape(_CPT, _CHUNK)
    tdst = jnp.concatenate([tail[1], pad_dst]).reshape(_CPT, _CHUNK)
    zeros2 = jnp.zeros((_CHUNK, _D), jnp.float32)
    zeros1 = jnp.zeros((1024,), jnp.float32)
    ones = jnp.ones((_CHUNK,), jnp.float32)

    agg2, dega, degb = _sc_agg(x, e3, tsrc, tdst, zeros2, zeros1, ones)
    dd = jnp.broadcast_to((dega + degb)[:_N, None], (_N, _D))
    y = _tc_mlp(agg2, dd,
                W1, b1.reshape(1, _D), Wh, bh.reshape(1, _D),
                Wo, bo.reshape(1, _D))
    return y

# --- scband reference (transcript-rebuilt; emitter-appended) ---
"""Pipeline reference for scband-net-38826504355941 (READ-ONLY COPY).

The authoritative reference and input builder live on the scoring server;
editing this copy changes nothing except your own understanding.
"""

import jax, jax.numpy as jnp
import numpy as np

N_NODES = 10000
N_EDGES = 320000
D_IN = 128
D_HID = 128
D_OUT = 128
NUM_HIDDEN_LAYERS = 2


def setup_inputs(seed: int = 0) -> dict:
    key = jax.random.key(seed)
    ks = jax.random.split(key, 10)
    x = jax.random.normal(ks[0], (N_NODES, D_IN), dtype=jnp.float32)
    edge_index = jax.random.randint(ks[1], (2, N_EDGES), 0, N_NODES, dtype=jnp.int64)
    s = 1.0 / np.sqrt(D_IN)
    W1 = jax.random.uniform(ks[2], (D_IN, D_HID), minval=-s, maxval=s, dtype=jnp.float32)
    b1 = jax.random.uniform(ks[3], (D_HID,), minval=-s, maxval=s, dtype=jnp.float32)
    sh = 1.0 / np.sqrt(D_HID)
    Wh = jax.random.uniform(ks[4], (D_HID, D_HID), minval=-sh, maxval=sh, dtype=jnp.float32)
    bh = jax.random.uniform(ks[5], (D_HID,), minval=-sh, maxval=sh, dtype=jnp.float32)
    Wo = jax.random.uniform(ks[6], (D_HID, D_OUT), minval=-sh, maxval=sh, dtype=jnp.float32)
    bo = jax.random.uniform(ks[7], (D_OUT,), minval=-sh, maxval=sh, dtype=jnp.float32)
    return {"x": x, "edge_index": edge_index, "W1": W1, "b1": b1, "Wh": Wh, "bh": bh, "Wo": Wo, "bo": bo}


def reference(x, edge_index, W1, b1, Wh, bh, Wo, bo):
    src = edge_index[0]
    dst = edge_index[1]
    # GCN message passing: copy_src + mean reduce (gather then scatter-add, normalize by in-degree)
    msg = jnp.take(x, src, axis=0)
    agg = jax.ops.segment_sum(msg, dst, num_segments=N_NODES)
    deg = jax.ops.segment_sum(jnp.ones((N_EDGES,), dtype=x.dtype), dst, num_segments=N_NODES)
    h = agg / jnp.maximum(deg, 1.0)[:, None]
    # NodeApplyModule: linear + relu
    h = jax.nn.relu(h @ W1 + b1)
    # hidden layers (num_hidden_layers=2 -> one extra hidden linear)
    h = jax.nn.relu(h @ Wh + bh)
    # output layer
    y = h @ Wo + bo
    return y

if __name__ == "__main__":
    import jax
    _d = setup_inputs()
    print(jax.jit(kernel)(*tuple(_d.values())))

</pallas_src>

<mosaic_0001>
#map = affine_map<(d0, d1) -> (0, 0)>
#map1 = affine_map<(d0, d1) -> (0, 0, 0)>
#map2 = affine_map<(d0, d1) -> (0)>
module attributes {stable_mosaic.version = 14 : i64} {
  func.func @_sc_agg_body(%arg0: i32, %arg1: i32, %arg2: memref<10000x128xf32, #tpu.memory_space<hbm>>, %arg3: memref<2x2500x128xi32, #tpu.memory_space<hbm>>, %arg4: memref<80x128xi32, #tpu.memory_space<hbm>>, %arg5: memref<80x128xi32, #tpu.memory_space<hbm>>, %arg6: memref<128x128xf32, #tpu.memory_space<hbm>>, %arg7: memref<1024xf32, #tpu.memory_space<hbm>>, %arg8: memref<128xf32, #tpu.memory_space<hbm>>, %arg9: memref<2x10112x128xf32, #tpu.memory_space<hbm>>, %arg10: memref<16384xf32, #tpu.memory_space<hbm>>, %arg11: memref<16384xf32, #tpu.memory_space<hbm>>, %arg12: memref<40x128xi32, #tpu.memory_space<vmem>>, %arg13: memref<40x128xi32, #tpu.memory_space<vmem>>, %arg14: memref<128x128xf32, #tpu.memory_space<vmem>>, %arg15: memref<128x128xf32, #tpu.memory_space<vmem>>, %arg16: memref<128xf32, #tpu.memory_space<vmem>>, %arg17: memref<1024xf32, #tpu.memory_space<vmem>>, %arg18: memref<10112x128xf32, #tpu.memory_space<vmem_shared>>, %arg19: memref<16384xf32, #tpu.memory_space<vmem_shared>>, %arg20: memref<!tpu.dma_semaphore, #tpu.memory_space<semaphore_mem>>, %arg21: memref<!tpu.dma_semaphore, #tpu.memory_space<semaphore_mem>>, %arg22: memref<!tpu.dma_semaphore, #tpu.memory_space<semaphore_mem>>, %arg23: memref<!tpu.dma_semaphore, #tpu.memory_space<semaphore_mem>>) attributes {dimension_semantics = [#tpu.dimension_semantics<core_parallel>, #tpu.dimension_semantics<subcore_parallel>], iteration_bounds = array<i64: 2, 16>, scalar_prefetch = 0 : i64, scratch_operands = 12 : i64, tpu.core_type = #tpu.core_type<sc_vector_subcore>, window_params = [{transform_indices = #map}, {transform_indices = #map1}, {transform_indices = #map}, {transform_indices = #map}, {transform_indices = #map}, {transform_indices = #map2}, {transform_indices = #map2}, {transform_indices = #map1}, {transform_indices = #map2}, {transform_indices = #map2}]} {
    %mul3A = arith.constant 16 : i32
    %mul3A_0 = arith.muli %arg0, %mul3A : i32
    %add3A = arith.addi %mul3A_0, %arg1 : i32
    "tpu.region"() ({
      %run_scoped3A = tpu.sem_alloc : memref<!tpu.dma_semaphore, #tpu.memory_space<semaphore_mem>>
      tpu.enqueue_dma source(%arg8 : memref<128xf32, #tpu.memory_space<hbm>>) target(%arg16 : memref<128xf32, #tpu.memory_space<vmem>>) target_semaphore(%run_scoped3A : memref<!tpu.dma_semaphore, #tpu.memory_space<semaphore_mem>>)
      tpu.wait_dma2 semaphore(%run_scoped3A : memref<!tpu.dma_semaphore, #tpu.memory_space<semaphore_mem>>) src(%arg8 : memref<128xf32, #tpu.memory_space<hbm>>) dst(%arg16 : memref<128xf32, #tpu.memory_space<vmem>>)
      tpu.yield
    }) : () -> ()
    %mul3A_1 = arith.constant 632 : i32
    %mul3A_2 = arith.muli %arg1, %mul3A_1 : i32
    "tpu.region"() ({
      %run_scoped3A = tpu.sem_alloc : memref<!tpu.dma_semaphore, #tpu.memory_space<semaphore_mem>>
      tpu.enqueue_dma source(%arg6 : memref<128x128xf32, #tpu.memory_space<hbm>>) target(%arg14 : memref<128x128xf32, #tpu.memory_space<vmem>>) target_semaphore(%run_scoped3A : memref<!tpu.dma_semaphore, #tpu.memory_space<semaphore_mem>>)
      tpu.wait_dma2 semaphore(%run_scoped3A : memref<!tpu.dma_semaphore, #tpu.memory_space<semaphore_mem>>) src(%arg6 : memref<128x128xf32, #tpu.memory_space<hbm>>) dst(%arg14 : memref<128x128xf32, #tpu.memory_space<vmem>>)
      tpu.yield
    }) : () -> ()
    %add3A_3 = arith.constant 0 : i32
    %add3A_4 = arith.addi %mul3A_2, %add3A_3 : i32
    "tpu.region"() ({
      %run_scoped3A = tpu.sem_alloc : memref<!tpu.dma_semaphore, #tpu.memory_space<semaphore_mem>>
      %dma_start3A_123 = arith.constant 0 : i32
      %dma_start3A_124 = tpu.memref_slice %arg18[%add3A_4, %dma_start3A_123] : memref<10112x128xf32, #tpu.memory_space<vmem_shared>> -> memref<128x128xf32, #tpu.memory_space<vmem_shared>>
      %dma_start3A_125 = arith.constant 0 : i32
      %dma_start3A_126 = tpu.memref_slice %arg18[%add3A_4, %dma_start3A_125] : memref<10112x128xf32, #tpu.memory_space<vmem_shared>> -> memref<128x128xf32, #tpu.memory_space<vmem_shared>>
      tpu.enqueue_dma source(%arg14 : memref<128x128xf32, #tpu.memory_space<vmem>>) target(%dma_start3A_126 : memref<128x128xf32, #tpu.memory_space<vmem_shared>>) target_semaphore(%run_scoped3A : memref<!tpu.dma_semaphore, #tpu.memory_space<semaphore_mem>>)
      %dma_wait3A_127 = arith.constant 0 : i32
      %dma_wait3A_128 = tpu.memref_slice %arg18[%add3A_4, %dma_wait3A_127] : memref<10112x128xf32, #tpu.memory_space<vmem_shared>> -> memref<128x128xf32, #tpu.memory_space<vmem_shared>>
      %dma_wait3A_129 = arith.constant 0 : i32
      %dma_wait3A_130 = tpu.memref_slice %arg18[%add3A_4, %dma_wait3A_129] : memref<10112x128xf32, #tpu.memory_space<vmem_shared>> -> memref<128x128xf32, #tpu.memory_space<vmem_shared>>
      tpu.wait_dma2 semaphore(%run_scoped3A : memref<!tpu.dma_semaphore, #tpu.memory_space<semaphore_mem>>) src(%arg14 : memref<128x128xf32, #tpu.memory_space<vmem>>) dst(%dma_wait3A_130 : memref<128x128xf32, #tpu.memory_space<vmem_shared>>)
      tpu.yield
    }) : () -> ()
    %add3A_5 = arith.constant 128 : i32
    %add3A_6 = arith.addi %mul3A_2, %add3A_5 : i32
    "tpu.region"() ({
      %run_scoped3A = tpu.sem_alloc : memref<!tpu.dma_semaphore, #tpu.memory_space<semaphore_mem>>
      %dma_start3A_123 = arith.constant 0 : i32
      %dma_start3A_124 = tpu.memref_slice %arg18[%add3A_6, %dma_start3A_123] : memref<10112x128xf32, #tpu.memory_space<vmem_shared>> -> memref<128x128xf32, #tpu.memory_space<vmem_shared>>
      %dma_start3A_125 = arith.constant 0 : i32
      %dma_start3A_126 = tpu.memref_slice %arg18[%add3A_6, %dma_start3A_125] : memref<10112x128xf32, #tpu.memory_space<vmem_shared>> -> memref<128x128xf32, #tpu.memory_space<vmem_shared>>
      tpu.enqueue_dma source(%arg14 : memref<128x128xf32, #tpu.memory_space<vmem>>) target(%dma_start3A_126 : memref<128x128xf32, #tpu.memory_space<vmem_shared>>) target_semaphore(%run_scoped3A : memref<!tpu.dma_semaphore, #tpu.memory_space<semaphore_mem>>)
      %dma_wait3A_127 = arith.constant 0 : i32
      %dma_wait3A_128 = tpu.memref_slice %arg18[%add3A_6, %dma_wait3A_127] : memref<10112x128xf32, #tpu.memory_space<vmem_shared>> -> memref<128x128xf32, #tpu.memory_space<vmem_shared>>
      %dma_wait3A_129 = arith.constant 0 : i32
      %dma_wait3A_130 = tpu.memref_slice %arg18[%add3A_6, %dma_wait3A_129] : memref<10112x128xf32, #tpu.memory_space<vmem_shared>> -> memref<128x128xf32, #tpu.memory_space<vmem_shared>>
      tpu.wait_dma2 semaphore(%run_scoped3A : memref<!tpu.dma_semaphore, #tpu.memory_space<semaphore_mem>>) src(%arg14 : memref<128x128xf32, #tpu.memory_space<vmem>>) dst(%dma_wait3A_130 : memref<128x128xf32, #tpu.memory_space<vmem_shared>>)
      tpu.yield
    }) : () -> ()
    %add3A_7 = arith.constant 256 : i32
    %add3A_8 = arith.addi %mul3A_2, %add3A_7 : i32
    "tpu.region"() ({
      %run_scoped3A = tpu.sem_alloc : memref<!tpu.dma_semaphore, #tpu.memory_space<semaphore_mem>>
      %dma_start3A_123 = arith.constant 0 : i32
      %dma_start3A_124 = tpu.memref_slice %arg18[%add3A_8, %dma_start3A_123] : memref<10112x128xf32, #tpu.memory_space<vmem_shared>> -> memref<128x128xf32, #tpu.memory_space<vmem_shared>>
      %dma_start3A_125 = arith.constant 0 : i32
      %dma_start3A_126 = tpu.memref_slice %arg18[%add3A_8, %dma_start3A_125] : memref<10112x128xf32, #tpu.memory_space<vmem_shared>> -> memref<128x128xf32, #tpu.memory_space<vmem_shared>>
      tpu.enqueue_dma source(%arg14 : memref<128x128xf32, #tpu.memory_space<vmem>>) target(%dma_start3A_126 : memref<128x128xf32, #tpu.memory_space<vmem_shared>>) target_semaphore(%run_scoped3A : memref<!tpu.dma_semaphore, #tpu.memory_space<semaphore_mem>>)
      %dma_wait3A_127 = arith.constant 0 : i32
      %dma_wait3A_128 = tpu.memref_slice %arg18[%add3A_8, %dma_wait3A_127] : memref<10112x128xf32, #tpu.memory_space<vmem_shared>> -> memref<128x128xf32, #tpu.memory_space<vmem_shared>>
      %dma_wait3A_129 = arith.constant 0 : i32
      %dma_wait3A_130 = tpu.memref_slice %arg18[%add3A_8, %dma_wait3A_129] : memref<10112x128xf32, #tpu.memory_space<vmem_shared>> -> memref<128x128xf32, #tpu.memory_space<vmem_shared>>
      tpu.wait_dma2 semaphore(%run_scoped3A : memref<!tpu.dma_semaphore, #tpu.memory_space<semaphore_mem>>) src(%arg14 : memref<128x128xf32, #tpu.memory_space<vmem>>) dst(%dma_wait3A_130 : memref<128x128xf32, #tpu.memory_space<vmem_shared>>)
      tpu.yield
    }) : () -> ()
    %add3A_9 = arith.constant 384 : i32
    %add3A_10 = arith.addi %mul3A_2, %add3A_9 : i32
    "tpu.region"() ({
      %run_scoped3A = tpu.sem_alloc : memref<!tpu.dma_semaphore, #tpu.memory_space<semaphore_mem>>
      %dma_start3A_123 = arith.constant 0 : i32
      %dma_start3A_124 = tpu.memref_slice %arg18[%add3A_10, %dma_start3A_123] : memref<10112x128xf32, #tpu.memory_space<vmem_shared>> -> memref<128x128xf32, #tpu.memory_space<vmem_shared>>
      %dma_start3A_125 = arith.constant 0 : i32
      %dma_start3A_126 = tpu.memref_slice %arg18[%add3A_10, %dma_start3A_125] : memref<10112x128xf32, #tpu.memory_space<vmem_shared>> -> memref<128x128xf32, #tpu.memory_space<vmem_shared>>
      tpu.enqueue_dma source(%arg14 : memref<128x128xf32, #tpu.memory_space<vmem>>) target(%dma_start3A_126 : memref<128x128xf32, #tpu.memory_space<vmem_shared>>) target_semaphore(%run_scoped3A : memref<!tpu.dma_semaphore, #tpu.memory_space<semaphore_mem>>)
      %dma_wait3A_127 = arith.constant 0 : i32
      %dma_wait3A_128 = tpu.memref_slice %arg18[%add3A_10, %dma_wait3A_127] : memref<10112x128xf32, #tpu.memory_space<vmem_shared>> -> memref<128x128xf32, #tpu.memory_space<vmem_shared>>
      %dma_wait3A_129 = arith.constant 0 : i32
      %dma_wait3A_130 = tpu.memref_slice %arg18[%add3A_10, %dma_wait3A_129] : memref<10112x128xf32, #tpu.memory_space<vmem_shared>> -> memref<128x128xf32, #tpu.memory_space<vmem_shared>>
      tpu.wait_dma2 semaphore(%run_scoped3A : memref<!tpu.dma_semaphore, #tpu.memory_space<semaphore_mem>>) src(%arg14 : memref<128x128xf32, #tpu.memory_space<vmem>>) dst(%dma_wait3A_130 : memref<128x128xf32, #tpu.memory_space<vmem_shared>>)
      tpu.yield
    }) : () -> ()
    %add3A_11 = arith.constant 512 : i32
    %add3A_12 = arith.addi %mul3A_2, %add3A_11 : i32
    "tpu.region"() ({
      %run_scoped3A = tpu.sem_alloc : memref<!tpu.dma_semaphore, #tpu.memory_space<semaphore_mem>>
      %dma_start3A_123 = arith.constant 0 : i32
      %dma_start3A_124 = arith.constant 0 : i32
      %dma_start3A_125 = tpu.memref_slice %arg14[%dma_start3A_123, %dma_start3A_124] : memref<128x128xf32, #tpu.memory_space<vmem>> -> memref<120x128xf32, #tpu.memory_space<vmem>>
      %dma_start3A_126 = arith.constant 0 : i32
      %dma_start3A_127 = tpu.memref_slice %arg18[%add3A_12, %dma_start3A_126] : memref<10112x128xf32, #tpu.memory_space<vmem_shared>> -> memref<120x128xf32, #tpu.memory_space<vmem_shared>>
      %dma_start3A_128 = arith.constant 0 : i32
      %dma_start3A_129 = tpu.memref_slice %arg18[%add3A_12, %dma_start3A_128] : memref<10112x128xf32, #tpu.memory_space<vmem_shared>> -> memref<120x128xf32, #tpu.memory_space<vmem_shared>>
      %dma_start3A_130 = arith.constant 0 : i32
      %dma_start3A_131 = arith.constant 0 : i32
      %dma_start3A_132 = tpu.memref_slice %arg14[%dma_start3A_130, %dma_start3A_131] : memref<128x128xf32, #tpu.memory_space<vmem>> -> memref<120x128xf32, #tpu.memory_space<vmem>>
      tpu.enqueue_dma source(%dma_start3A_132 : memref<120x128xf32, #tpu.memory_space<vmem>>) target(%dma_start3A_129 : memref<120x128xf32, #tpu.memory_space<vmem_shared>>) target_semaphore(%run_scoped3A : memref<!tpu.dma_semaphore, #tpu.memory_space<semaphore_mem>>)
      %dma_wait3A_133 = arith.constant 0 : i32
      %dma_wait3A_134 = arith.constant 0 : i32
      %dma_wait3A_135 = tpu.memref_slice %arg14[%dma_wait3A_133, %dma_wait3A_134] : memref<128x128xf32, #tpu.memory_space<vmem>> -> memref<120x128xf32, #tpu.memory_space<vmem>>
      %dma_wait3A_136 = arith.constant 0 : i32
      %dma_wait3A_137 = tpu.memref_slice %arg18[%add3A_12, %dma_wait3A_136] : memref<10112x128xf32, #tpu.memory_space<vmem_shared>> -> memref<120x128xf32, #tpu.memory_space<vmem_shared>>
      %dma_wait3A_138 = arith.constant 0 : i32
      %dma_wait3A_139 = tpu.memref_slice %arg18[%add3A_12, %dma_wait3A_138] : memref<10112x128xf32, #tpu.memory_space<vmem_shared>> -> memref<120x128xf32, #tpu.memory_space<vmem_shared>>
      %dma_wait3A_140 = arith.constant 0 : i32
      %dma_wait3A_141 = arith.constant 0 : i32
      %dma_wait3A_142 = tpu.memref_slice %arg14[%dma_wait3A_140, %dma_wait3A_141] : memref<128x128xf32, #tpu.memory_space<vmem>> -> memref<120x128xf32, #tpu.memory_space<vmem>>
      tpu.wait_dma2 semaphore(%run_scoped3A : memref<!tpu.dma_semaphore, #tpu.memory_space<semaphore_mem>>) src(%dma_wait3A_142 : memref<120x128xf32, #tpu.memory_space<vmem>>) dst(%dma_wait3A_139 : memref<120x128xf32, #tpu.memory_space<vmem_shared>>)
      tpu.yield
    }) : () -> ()
    "tpu.region"() ({
      %run_scoped3A = tpu.sem_alloc : memref<!tpu.dma_semaphore, #tpu.memory_space<semaphore_mem>>
      tpu.enqueue_dma source(%arg7 : memref<1024xf32, #tpu.memory_space<hbm>>) target(%arg17 : memref<1024xf32, #tpu.memory_space<vmem>>) target_semaphore(%run_scoped3A : memref<!tpu.dma_semaphore, #tpu.memory_space<semaphore_mem>>)
      tpu.wait_dma2 semaphore(%run_scoped3A : memref<!tpu.dma_semaphore, #tpu.memory_space<semaphore_mem>>) src(%arg7 : memref<1024xf32, #tpu.memory_space<hbm>>) dst(%arg17 : memref<1024xf32, #tpu.memory_space<vmem>>)
      tpu.yield
    }) : () -> ()
    %mul3A_13 = arith.constant 1024 : i32
    %mul3A_14 = arith.muli %arg1, %mul3A_13 : i32
    "tpu.region"() ({
      %run_scoped3A = tpu.sem_alloc : memref<!tpu.dma_semaphore, #tpu.memory_space<semaphore_mem>>
      %dma_start3A_123 = tpu.memref_slice %arg19[%mul3A_14] : memref<16384xf32, #tpu.memory_space<vmem_shared>> -> memref<1024xf32, #tpu.memory_space<vmem_shared>>
      %dma_start3A_124 = tpu.memref_slice %arg19[%mul3A_14] : memref<16384xf32, #tpu.memory_space<vmem_shared>> -> memref<1024xf32, #tpu.memory_space<vmem_shared>>
      tpu.enqueue_dma source(%arg17 : memref<1024xf32, #tpu.memory_space<vmem>>) target(%dma_start3A_124 : memref<1024xf32, #tpu.memory_space<vmem_shared>>) target_semaphore(%run_scoped3A : memref<!tpu.dma_semaphore, #tpu.memory_space<semaphore_mem>>)
      %dma_wait3A_125 = tpu.memref_slice %arg19[%mul3A_14] : memref<16384xf32, #tpu.memory_space<vmem_shared>> -> memref<1024xf32, #tpu.memory_space<vmem_shared>>
      %dma_wait3A_126 = tpu.memref_slice %arg19[%mul3A_14] : memref<16384xf32, #tpu.memory_space<vmem_shared>> -> memref<1024xf32, #tpu.memory_space<vmem_shared>>
      tpu.wait_dma2 semaphore(%run_scoped3A : memref<!tpu.dma_semaphore, #tpu.memory_space<semaphore_mem>>) src(%arg17 : memref<1024xf32, #tpu.memory_space<vmem>>) dst(%dma_wait3A_126 : memref<1024xf32, #tpu.memory_space<vmem_shared>>)
      tpu.yield
    }) : () -> ()
    %barrier3A = arith.constant 0 : index
    tpu.barrier barrier_id(%barrier3A)
    %lt3A = arith.constant 31 : i32
    %lt3A_15 = arith.cmpi slt, %add3A, %lt3A : i32
    %convert_element_type3A = arith.extui %lt3A_15 : i1 to i32
    %cond3A = arith.constant 0 : i32
    %cond3A_16 = arith.cmpi ne, %convert_element_type3A, %cond3A : i32
    scf.if %cond3A_16 {
      %mul3A_123 = arith.constant 80 : i32
      %mul3A_124 = arith.muli %add3A, %mul3A_123 : i32
      %add3A_125 = arith.constant 0 : i32
      %add3A_126 = arith.addi %mul3A_124, %add3A_125 : i32
      %run_scoped3A = arith.constant 0 : i32
      "tpu.region"() ({
        %run_scoped3A_132 = tpu.sem_alloc : memref<!tpu.dma_semaphore, #tpu.memory_space<semaphore_mem>>
        %dma_start3A_133 = arith.constant 0 : i32
        %dma_start3A_134 = tpu.memref_slice %arg3[%run_scoped3A, %add3A_126, %dma_start3A_133] : memref<2x2500x128xi32, #tpu.memory_space<hbm>> -> memref<1x40x128xi32, #tpu.memory_space<hbm>>
        %dma_start3A_135 = tpu.memref_squeeze %dma_start3A_134 : memref<1x40x128xi32, #tpu.memory_space<hbm>> -> memref<40x128xi32, #tpu.memory_space<hbm>>
        %dma_start3A_136 = arith.constant 0 : i32
        %dma_start3A_137 = tpu.memref_slice %arg3[%run_scoped3A, %add3A_126, %dma_start3A_136] : memref<2x2500x128xi32, #tpu.memory_space<hbm>> -> memref<1x40x128xi32, #tpu.memory_space<hbm>>
        %dma_start3A_138 = tpu.memref_squeeze %dma_start3A_137 : memref<1x40x128xi32, #tpu.memory_space<hbm>> -> memref<40x128xi32, #tpu.memory_space<hbm>>
        tpu.enqueue_dma source(%dma_start3A_138 : memref<40x128xi32, #tpu.memory_space<hbm>>) target(%arg12 : memref<40x128xi32, #tpu.memory_space<vmem>>) target_semaphore(%run_scoped3A_132 : memref<!tpu.dma_semaphore, #tpu.memory_space<semaphore_mem>>)
        %dma_wait3A_139 = arith.constant 0 : i32
        %dma_wait3A_140 = tpu.memref_slice %arg3[%run_scoped3A, %add3A_126, %dma_wait3A_139] : memref<2x2500x128xi32, #tpu.memory_space<hbm>> -> memref<1x40x128xi32, #tpu.memory_space<hbm>>
        %dma_wait3A_141 = tpu.memref_squeeze %dma_wait3A_140 : memref<1x40x128xi32, #tpu.memory_space<hbm>> -> memref<40x128xi32, #tpu.memory_space<hbm>>
        %dma_wait3A_142 = arith.constant 0 : i32
        %dma_wait3A_143 = tpu.memref_slice %arg3[%run_scoped3A, %add3A_126, %dma_wait3A_142] : memref<2x2500x128xi32, #tpu.memory_space<hbm>> -> memref<1x40x128xi32, #tpu.memory_space<hbm>>
        %dma_wait3A_144 = tpu.memref_squeeze %dma_wait3A_143 : memref<1x40x128xi32, #tpu.memory_space<hbm>> -> memref<40x128xi32, #tpu.memory_space<hbm>>
        tpu.wait_dma2 semaphore(%run_scoped3A_132 : memref<!tpu.dma_semaphore, #tpu.memory_space<semaphore_mem>>) src(%dma_wait3A_144 : memref<40x128xi32, #tpu.memory_space<hbm>>) dst(%arg12 : memref<40x128xi32, #tpu.memory_space<vmem>>)
        tpu.yield
      }) : () -> ()
      %mul3A_127 = arith.constant 80 : i32
      %mul3A_128 = arith.muli %add3A, %mul3A_127 : i32
      %add3A_129 = arith.constant 0 : i32
      %add3A_130 = arith.addi %mul3A_128, %add3A_129 : i32
      %run_scoped3A_131 = arith.constant 1 : i32
      "tpu.region"() ({
        %run_scoped3A_132 = tpu.sem_alloc : memref<!tpu.dma_semaphore, #tpu.memory_space<semaphore_mem>>
        %dma_start3A_133 = arith.constant 0 : i32
        %dma_start3A_134 = tpu.memref_slice %arg3[%run_scoped3A_131, %add3A_130, %dma_start3A_133] : memref<2x2500x128xi32, #tpu.memory_space<hbm>> -> memref<1x40x128xi32, #tpu.memory_space<hbm>>
        %dma_start3A_135 = tpu.memref_squeeze %dma_start3A_134 : memref<1x40x128xi32, #tpu.memory_space<hbm>> -> memref<40x128xi32, #tpu.memory_space<hbm>>
        %dma_start3A_136 = arith.constant 0 : i32
        %dma_start3A_137 = tpu.memref_slice %arg3[%run_scoped3A_131, %add3A_130, %dma_start3A_136] : memref<2x2500x128xi32, #tpu.memory_space<hbm>> -> memref<1x40x128xi32, #tpu.memory_space<hbm>>
        %dma_start3A_138 = tpu.memref_squeeze %dma_start3A_137 : memref<1x40x128xi32, #tpu.memory_space<hbm>> -> memref<40x128xi32, #tpu.memory_space<hbm>>
        tpu.enqueue_dma source(%dma_start3A_138 : memref<40x128xi32, #tpu.memory_space<hbm>>) target(%arg13 : memref<40x128xi32, #tpu.memory_space<vmem>>) target_semaphore(%run_scoped3A_132 : memref<!tpu.dma_semaphore, #tpu.memory_space<semaphore_mem>>)
        %dma_wait3A_139 = arith.constant 0 : i32
        %dma_wait3A_140 = tpu.memref_slice %arg3[%run_scoped3A_131, %add3A_130, %dma_wait3A_139] : memref<2x2500x128xi32, #tpu.memory_space<hbm>> -> memref<1x40x128xi32, #tpu.memory_space<hbm>>
        %dma_wait3A_141 = tpu.memref_squeeze %dma_wait3A_140 : memref<1x40x128xi32, #tpu.memory_space<hbm>> -> memref<40x128xi32, #tpu.memory_space<hbm>>
        %dma_wait3A_142 = arith.constant 0 : i32
        %dma_wait3A_143 = tpu.memref_slice %arg3[%run_scoped3A_131, %add3A_130, %dma_wait3A_142] : memref<2x2500x128xi32, #tpu.memory_space<hbm>> -> memref<1x40x128xi32, #tpu.memory_space<hbm>>
        %dma_wait3A_144 = tpu.memref_squeeze %dma_wait3A_143 : memref<1x40x128xi32, #tpu.memory_space<hbm>> -> memref<40x128xi32, #tpu.memory_space<hbm>>
        tpu.wait_dma2 semaphore(%run_scoped3A_132 : memref<!tpu.dma_semaphore, #tpu.memory_space<semaphore_mem>>) src(%dma_wait3A_144 : memref<40x128xi32, #tpu.memory_space<hbm>>) dst(%arg13 : memref<40x128xi32, #tpu.memory_space<vmem>>)
        tpu.yield
      }) : () -> ()
    } else {
    }
    %eq3A = arith.constant 31 : i32
    %eq3A_17 = arith.cmpi eq, %add3A, %eq3A : i32
    %convert_element_type3A_18 = arith.extui %eq3A_17 : i1 to i32
    %cond3A_19 = arith.constant 0 : i32
    %cond3A_20 = arith.cmpi ne, %convert_element_type3A_18, %cond3A_19 : i32
    scf.if %cond3A_20 {
      "tpu.region"() ({
        %run_scoped3A = tpu.sem_alloc : memref<!tpu.dma_semaphore, #tpu.memory_space<semaphore_mem>>
        %dma_start3A_123 = arith.constant 0 : i32
        %dma_start3A_124 = arith.constant 0 : i32
        %dma_start3A_125 = tpu.memref_slice %arg4[%dma_start3A_123, %dma_start3A_124] : memref<80x128xi32, #tpu.memory_space<hbm>> -> memref<40x128xi32, #tpu.memory_space<hbm>>
        %dma_start3A_126 = arith.constant 0 : i32
        %dma_start3A_127 = arith.constant 0 : i32
        %dma_start3A_128 = tpu.memref_slice %arg4[%dma_start3A_126, %dma_start3A_127] : memref<80x128xi32, #tpu.memory_space<hbm>> -> memref<40x128xi32, #tpu.memory_space<hbm>>
        tpu.enqueue_dma source(%dma_start3A_128 : memref<40x128xi32, #tpu.memory_space<hbm>>) target(%arg12 : memref<40x128xi32, #tpu.memory_space<vmem>>) target_semaphore(%run_scoped3A : memref<!tpu.dma_semaphore, #tpu.memory_space<semaphore_mem>>)
        %dma_wait3A_129 = arith.constant 0 : i32
        %dma_wait3A_130 = arith.constant 0 : i32
        %dma_wait3A_131 = tpu.memref_slice %arg4[%dma_wait3A_129, %dma_wait3A_130] : memref<80x128xi32, #tpu.memory_space<hbm>> -> memref<40x128xi32, #tpu.memory_space<hbm>>
        %dma_wait3A_132 = arith.constant 0 : i32
        %dma_wait3A_133 = arith.constant 0 : i32
        %dma_wait3A_134 = tpu.memref_slice %arg4[%dma_wait3A_132, %dma_wait3A_133] : memref<80x128xi32, #tpu.memory_space<hbm>> -> memref<40x128xi32, #tpu.memory_space<hbm>>
        tpu.wait_dma2 semaphore(%run_scoped3A : memref<!tpu.dma_semaphore, #tpu.memory_space<semaphore_mem>>) src(%dma_wait3A_134 : memref<40x128xi32, #tpu.memory_space<hbm>>) dst(%arg12 : memref<40x128xi32, #tpu.memory_space<vmem>>)
        tpu.yield
      }) : () -> ()
      "tpu.region"() ({
        %run_scoped3A = tpu.sem_alloc : memref<!tpu.dma_semaphore, #tpu.memory_space<semaphore_mem>>
        %dma_start3A_123 = arith.constant 0 : i32
        %dma_start3A_124 = arith.constant 0 : i32
        %dma_start3A_125 = tpu.memref_slice %arg5[%dma_start3A_123, %dma_start3A_124] : memref<80x128xi32, #tpu.memory_space<hbm>> -> memref<40x128xi32, #tpu.memory_space<hbm>>
        %dma_start3A_126 = arith.constant 0 : i32
        %dma_start3A_127 = arith.constant 0 : i32
        %dma_start3A_128 = tpu.memref_slice %arg5[%dma_start3A_126, %dma_start3A_127] : memref<80x128xi32, #tpu.memory_space<hbm>> -> memref<40x128xi32, #tpu.memory_space<hbm>>
        tpu.enqueue_dma source(%dma_start3A_128 : memref<40x128xi32, #tpu.memory_space<hbm>>) target(%arg13 : memref<40x128xi32, #tpu.memory_space<vmem>>) target_semaphore(%run_scoped3A : memref<!tpu.dma_semaphore, #tpu.memory_space<semaphore_mem>>)
        %dma_wait3A_129 = arith.constant 0 : i32
        %dma_wait3A_130 = arith.constant 0 : i32
        %dma_wait3A_131 = tpu.memref_slice %arg5[%dma_wait3A_129, %dma_wait3A_130] : memref<80x128xi32, #tpu.memory_space<hbm>> -> memref<40x128xi32, #tpu.memory_space<hbm>>
        %dma_wait3A_132 = arith.constant 0 : i32
        %dma_wait3A_133 = arith.constant 0 : i32
        %dma_wait3A_134 = tpu.memref_slice %arg5[%dma_wait3A_132, %dma_wait3A_133] : memref<80x128xi32, #tpu.memory_space<hbm>> -> memref<40x128xi32, #tpu.memory_space<hbm>>
        tpu.wait_dma2 semaphore(%run_scoped3A : memref<!tpu.dma_semaphore, #tpu.memory_space<semaphore_mem>>) src(%dma_wait3A_134 : memref<40x128xi32, #tpu.memory_space<hbm>>) dst(%arg13 : memref<40x128xi32, #tpu.memory_space<vmem>>)
        tpu.yield
      }) : () -> ()
    } else {
    }
    %dma_start3A = arith.constant 0 : i32
    %dma_start3A_21 = arith.constant 0 : i32
    %dma_start3A_22 = tpu.memref_slice %arg12[%dma_start3A, %dma_start3A_21] : memref<40x128xi32, #tpu.memory_space<vmem>> -> memref<1x128xi32, #tpu.memory_space<vmem>>
    %dma_start3A_23 = tpu.memref_squeeze %dma_start3A_22 : memref<1x128xi32, #tpu.memory_space<vmem>> -> memref<128xi32, #tpu.memory_space<vmem>>
    %dma_start3A_24 = arith.constant 0 : i32
    %dma_start3A_25 = arith.constant 0 : i32
    %dma_start3A_26 = tpu.memref_slice %arg2[%dma_start3A_24, %dma_start3A_25] : memref<10000x128xf32, #tpu.memory_space<hbm>> -> memref<10000x128xf32, #tpu.memory_space<hbm>>
    tpu.enqueue_indirect_dma source(%dma_start3A_26 : memref<10000x128xf32, #tpu.memory_space<hbm>>) target(%arg14 : memref<128x128xf32, #tpu.memory_space<vmem>>) offsets(%dma_start3A_23 : memref<128xi32, #tpu.memory_space<vmem>>) semaphore(%arg20 : memref<!tpu.dma_semaphore, #tpu.memory_space<semaphore_mem>>)
    %dma_start3A_27 = arith.constant 1 : i32
    %dma_start3A_28 = arith.constant 0 : i32
    %dma_start3A_29 = tpu.memref_slice %arg12[%dma_start3A_27, %dma_start3A_28] : memref<40x128xi32, #tpu.memory_space<vmem>> -> memref<1x128xi32, #tpu.memory_space<vmem>>
    %dma_start3A_30 = tpu.memref_squeeze %dma_start3A_29 : memref<1x128xi32, #tpu.memory_space<vmem>> -> memref<128xi32, #tpu.memory_space<vmem>>
    %dma_start3A_31 = arith.constant 0 : i32
    %dma_start3A_32 = arith.constant 0 : i32
    %dma_start3A_33 = tpu.memref_slice %arg2[%dma_start3A_31, %dma_start3A_32] : memref<10000x128xf32, #tpu.memory_space<hbm>> -> memref<10000x128xf32, #tpu.memory_space<hbm>>
    tpu.enqueue_indirect_dma source(%dma_start3A_33 : memref<10000x128xf32, #tpu.memory_space<hbm>>) target(%arg15 : memref<128x128xf32, #tpu.memory_space<vmem>>) offsets(%dma_start3A_30 : memref<128xi32, #tpu.memory_space<vmem>>) semaphore(%arg21 : memref<!tpu.dma_semaphore, #tpu.memory_space<semaphore_mem>>)
    %scan3A = arith.constant 0 : i32
    %scan3A_34 = arith.constant 20 : i32
    %scan3A_35 = arith.addi %scan3A, %scan3A_34 : i32
    %scan3A_36 = arith.constant 1 : i32
    scf.for %scan3A_123 = %scan3A to %scan3A_35 step %scan3A_36  : i32 {
      %mul3A_124 = arith.constant 1 : i32
      %mul3A_125 = arith.muli %scan3A_123, %mul3A_124 : i32
      %add3A_126 = arith.constant 0 : i32
      %add3A_127 = arith.addi %add3A_126, %mul3A_125 : i32
      %mul3A_128 = arith.constant 2 : i32
      %mul3A_129 = arith.muli %mul3A_128, %add3A_127 : i32
      %add3A_130 = arith.constant 0 : i32
      %add3A_131 = arith.addi %mul3A_129, %add3A_130 : i32
      %dma_wait3A_132 = arith.constant 0 : i32
      %dma_wait3A_133 = tpu.memref_slice %arg12[%add3A_131, %dma_wait3A_132] : memref<40x128xi32, #tpu.memory_space<vmem>> -> memref<1x128xi32, #tpu.memory_space<vmem>>
      %dma_wait3A_134 = tpu.memref_squeeze %dma_wait3A_133 : memref<1x128xi32, #tpu.memory_space<vmem>> -> memref<128xi32, #tpu.memory_space<vmem>>
      %dma_wait3A_135 = arith.constant 0 : i32
      %dma_wait3A_136 = arith.constant 0 : i32
      %dma_wait3A_137 = tpu.memref_slice %arg2[%dma_wait3A_135, %dma_wait3A_136] : memref<10000x128xf32, #tpu.memory_space<hbm>> -> memref<10000x128xf32, #tpu.memory_space<hbm>>
      tpu.wait_indirect_dma semaphore(%arg20 : memref<!tpu.dma_semaphore, #tpu.memory_space<semaphore_mem>>) src(%dma_wait3A_137 : memref<10000x128xf32, #tpu.memory_space<hbm>>) dst(%arg14 : memref<128x128xf32, #tpu.memory_space<vmem>>)
      %ge3A = arith.constant 2 : i32
      %ge3A_138 = arith.cmpi sge, %add3A_131, %ge3A : i32
      %convert_element_type3A_139 = arith.extui %ge3A_138 : i1 to i32
      %cond3A_140 = arith.constant 0 : i32
      %cond3A_141 = arith.cmpi ne, %convert_element_type3A_139, %cond3A_140 : i32
      scf.if %cond3A_141 {
        %sub3A = arith.constant 2 : i32
        %sub3A_179 = arith.subi %add3A_131, %sub3A : i32
        %dma_wait3A_180 = arith.constant 0 : i32
        %dma_wait3A_181 = tpu.memref_slice %arg13[%sub3A_179, %dma_wait3A_180] : memref<40x128xi32, #tpu.memory_space<vmem>> -> memref<1x128xi32, #tpu.memory_space<vmem>>
        %dma_wait3A_182 = tpu.memref_squeeze %dma_wait3A_181 : memref<1x128xi32, #tpu.memory_space<vmem>> -> memref<128xi32, #tpu.memory_space<vmem>>
        %dma_wait3A_183 = arith.constant 0 : i32
        %dma_wait3A_184 = tpu.memref_slice %arg19[%dma_wait3A_183] : memref<16384xf32, #tpu.memory_space<vmem_shared>> -> memref<16384xf32, #tpu.memory_space<vmem_shared>>
        tpu.wait_indirect_dma semaphore(%arg22 : memref<!tpu.dma_semaphore, #tpu.memory_space<semaphore_mem>>) src(%arg16 : memref<128xf32, #tpu.memory_space<vmem>>) dst(%dma_wait3A_184 : memref<16384xf32, #tpu.memory_space<vmem_shared>>)
      } else {
      }
      %dma_start3A_142 = arith.constant 0 : i32
      %dma_start3A_143 = tpu.memref_slice %arg13[%add3A_131, %dma_start3A_142] : memref<40x128xi32, #tpu.memory_space<vmem>> -> memref<1x128xi32, #tpu.memory_space<vmem>>
      %dma_start3A_144 = tpu.memref_squeeze %dma_start3A_143 : memref<1x128xi32, #tpu.memory_space<vmem>> -> memref<128xi32, #tpu.memory_space<vmem>>
      %dma_start3A_145 = arith.constant 0 : i32
      %dma_start3A_146 = tpu.memref_slice %arg19[%dma_start3A_145] : memref<16384xf32, #tpu.memory_space<vmem_shared>> -> memref<16384xf32, #tpu.memory_space<vmem_shared>>
      tpu.enqueue_indirect_dma source(%arg16 : memref<128xf32, #tpu.memory_space<vmem>>) target(%dma_start3A_146 : memref<16384xf32, #tpu.memory_space<vmem_shared>>) offsets(%dma_start3A_144 : memref<128xi32, #tpu.memory_space<vmem>>) semaphore(%arg22 : memref<!tpu.dma_semaphore, #tpu.memory_space<semaphore_mem>>) {add = true}
      "tpu.region"() ({
        %run_scoped3A = tpu.sem_alloc : memref<!tpu.dma_semaphore, #tpu.memory_space<semaphore_mem>>
        %dma_start3A_179 = arith.constant 0 : i32
        %dma_start3A_180 = tpu.memref_slice %arg13[%add3A_131, %dma_start3A_179] : memref<40x128xi32, #tpu.memory_space<vmem>> -> memref<1x128xi32, #tpu.memory_space<vmem>>
        %dma_start3A_181 = tpu.memref_squeeze %dma_start3A_180 : memref<1x128xi32, #tpu.memory_space<vmem>> -> memref<128xi32, #tpu.memory_space<vmem>>
        %dma_start3A_182 = arith.constant 0 : i32
        %dma_start3A_183 = arith.constant 0 : i32
        %dma_start3A_184 = tpu.memref_slice %arg18[%dma_start3A_182, %dma_start3A_183] : memref<10112x128xf32, #tpu.memory_space<vmem_shared>> -> memref<10112x128xf32, #tpu.memory_space<vmem_shared>>
        tpu.enqueue_indirect_dma source(%arg14 : memref<128x128xf32, #tpu.memory_space<vmem>>) target(%dma_start3A_184 : memref<10112x128xf32, #tpu.memory_space<vmem_shared>>) offsets(%dma_start3A_181 : memref<128xi32, #tpu.memory_space<vmem>>) semaphore(%run_scoped3A : memref<!tpu.dma_semaphore, #tpu.memory_space<semaphore_mem>>) {add = true}
        %dma_wait3A_185 = arith.constant 0 : i32
        %dma_wait3A_186 = tpu.memref_slice %arg13[%add3A_131, %dma_wait3A_185] : memref<40x128xi32, #tpu.memory_space<vmem>> -> memref<1x128xi32, #tpu.memory_space<vmem>>
        %dma_wait3A_187 = tpu.memref_squeeze %dma_wait3A_186 : memref<1x128xi32, #tpu.memory_space<vmem>> -> memref<128xi32, #tpu.memory_space<vmem>>
        %dma_wait3A_188 = arith.constant 0 : i32
        %dma_wait3A_189 = arith.constant 0 : i32
        %dma_wait3A_190 = tpu.memref_slice %arg18[%dma_wait3A_188, %dma_wait3A_189] : memref<10112x128xf32, #tpu.memory_space<vmem_shared>> -> memref<10112x128xf32, #tpu.memory_space<vmem_shared>>
        tpu.wait_indirect_dma semaphore(%run_scoped3A : memref<!tpu.dma_semaphore, #tpu.memory_space<semaphore_mem>>) src(%arg14 : memref<128x128xf32, #tpu.memory_space<vmem>>) dst(%dma_wait3A_190 : memref<10112x128xf32, #tpu.memory_space<vmem_shared>>)
        tpu.yield
      }) : () -> ()
      %add3A_147 = arith.constant 2 : i32
      %add3A_148 = arith.addi %add3A_131, %add3A_147 : i32
      %lt3A_149 = arith.constant 40 : i32
      %lt3A_150 = arith.cmpi slt, %add3A_148, %lt3A_149 : i32
      %convert_element_type3A_151 = arith.extui %lt3A_150 : i1 to i32
      %cond3A_152 = arith.constant 0 : i32
      %cond3A_153 = arith.cmpi ne, %convert_element_type3A_151, %cond3A_152 : i32
      scf.if %cond3A_153 {
        %add3A_179 = arith.constant 2 : i32
        %add3A_180 = arith.addi %add3A_131, %add3A_179 : i32
        %dma_start3A_181 = arith.constant 0 : i32
        %dma_start3A_182 = tpu.memref_slice %arg12[%add3A_180, %dma_start3A_181] : memref<40x128xi32, #tpu.memory_space<vmem>> -> memref<1x128xi32, #tpu.memory_space<vmem>>
        %dma_start3A_183 = tpu.memref_squeeze %dma_start3A_182 : memref<1x128xi32, #tpu.memory_space<vmem>> -> memref<128xi32, #tpu.memory_space<vmem>>
        %dma_start3A_184 = arith.constant 0 : i32
        %dma_start3A_185 = arith.constant 0 : i32
        %dma_start3A_186 = tpu.memref_slice %arg2[%dma_start3A_184, %dma_start3A_185] : memref<10000x128xf32, #tpu.memory_space<hbm>> -> memref<10000x128xf32, #tpu.memory_space<hbm>>
        tpu.enqueue_indirect_dma source(%dma_start3A_186 : memref<10000x128xf32, #tpu.memory_space<hbm>>) target(%arg14 : memref<128x128xf32, #tpu.memory_space<vmem>>) offsets(%dma_start3A_183 : memref<128xi32, #tpu.memory_space<vmem>>) semaphore(%arg20 : memref<!tpu.dma_semaphore, #tpu.memory_space<semaphore_mem>>)
      } else {
      }
      %add3A_154 = arith.constant 1 : i32
      %add3A_155 = arith.addi %mul3A_129, %add3A_154 : i32
      %dma_wait3A_156 = arith.constant 0 : i32
      %dma_wait3A_157 = tpu.memref_slice %arg12[%add3A_155, %dma_wait3A_156] : memref<40x128xi32, #tpu.memory_space<vmem>> -> memref<1x128xi32, #tpu.memory_space<vmem>>
      %dma_wait3A_158 = tpu.memref_squeeze %dma_wait3A_157 : memref<1x128xi32, #tpu.memory_space<vmem>> -> memref<128xi32, #tpu.memory_space<vmem>>
      %dma_wait3A_159 = arith.constant 0 : i32
      %dma_wait3A_160 = arith.constant 0 : i32
      %dma_wait3A_161 = tpu.memref_slice %arg2[%dma_wait3A_159, %dma_wait3A_160] : memref<10000x128xf32, #tpu.memory_space<hbm>> -> memref<10000x128xf32, #tpu.memory_space<hbm>>
      tpu.wait_indirect_dma semaphore(%arg21 : memref<!tpu.dma_semaphore, #tpu.memory_space<semaphore_mem>>) src(%dma_wait3A_161 : memref<10000x128xf32, #tpu.memory_space<hbm>>) dst(%arg15 : memref<128x128xf32, #tpu.memory_space<vmem>>)
      %ge3A_162 = arith.constant 2 : i32
      %ge3A_163 = arith.cmpi sge, %add3A_155, %ge3A_162 : i32
      %convert_element_type3A_164 = arith.extui %ge3A_163 : i1 to i32
      %cond3A_165 = arith.constant 0 : i32
      %cond3A_166 = arith.cmpi ne, %convert_element_type3A_164, %cond3A_165 : i32
      scf.if %cond3A_166 {
        %sub3A = arith.constant 2 : i32
        %sub3A_179 = arith.subi %add3A_155, %sub3A : i32
        %dma_wait3A_180 = arith.constant 0 : i32
        %dma_wait3A_181 = tpu.memref_slice %arg13[%sub3A_179, %dma_wait3A_180] : memref<40x128xi32, #tpu.memory_space<vmem>> -> memref<1x128xi32, #tpu.memory_space<vmem>>
        %dma_wait3A_182 = tpu.memref_squeeze %dma_wait3A_181 : memref<1x128xi32, #tpu.memory_space<vmem>> -> memref<128xi32, #tpu.memory_space<vmem>>
        %dma_wait3A_183 = arith.constant 0 : i32
        %dma_wait3A_184 = tpu.memref_slice %arg19[%dma_wait3A_183] : memref<16384xf32, #tpu.memory_space<vmem_shared>> -> memref<16384xf32, #tpu.memory_space<vmem_shared>>
        tpu.wait_indirect_dma semaphore(%arg23 : memref<!tpu.dma_semaphore, #tpu.memory_space<semaphore_mem>>) src(%arg16 : memref<128xf32, #tpu.memory_space<vmem>>) dst(%dma_wait3A_184 : memref<16384xf32, #tpu.memory_space<vmem_shared>>)
      } else {
      }
      %dma_start3A_167 = arith.constant 0 : i32
      %dma_start3A_168 = tpu.memref_slice %arg13[%add3A_155, %dma_start3A_167] : memref<40x128xi32, #tpu.memory_space<vmem>> -> memref<1x128xi32, #tpu.memory_space<vmem>>
      %dma_start3A_169 = tpu.memref_squeeze %dma_start3A_168 : memref<1x128xi32, #tpu.memory_space<vmem>> -> memref<128xi32, #tpu.memory_space<vmem>>
      %dma_start3A_170 = arith.constant 0 : i32
      %dma_start3A_171 = tpu.memref_slice %arg19[%dma_start3A_170] : memref<16384xf32, #tpu.memory_space<vmem_shared>> -> memref<16384xf32, #tpu.memory_space<vmem_shared>>
      tpu.enqueue_indirect_dma source(%arg16 : memref<128xf32, #tpu.memory_space<vmem>>) target(%dma_start3A_171 : memref<16384xf32, #tpu.memory_space<vmem_shared>>) offsets(%dma_start3A_169 : memref<128xi32, #tpu.memory_space<vmem>>) semaphore(%arg23 : memref<!tpu.dma_semaphore, #tpu.memory_space<semaphore_mem>>) {add = true}
      "tpu.region"() ({
        %run_scoped3A = tpu.sem_alloc : memref<!tpu.dma_semaphore, #tpu.memory_space<semaphore_mem>>
        %dma_start3A_179 = arith.constant 0 : i32
        %dma_start3A_180 = tpu.memref_slice %arg13[%add3A_155, %dma_start3A_179] : memref<40x128xi32, #tpu.memory_space<vmem>> -> memref<1x128xi32, #tpu.memory_space<vmem>>
        %dma_start3A_181 = tpu.memref_squeeze %dma_start3A_180 : memref<1x128xi32, #tpu.memory_space<vmem>> -> memref<128xi32, #tpu.memory_space<vmem>>
        %dma_start3A_182 = arith.constant 0 : i32
        %dma_start3A_183 = arith.constant 0 : i32
        %dma_start3A_184 = tpu.memref_slice %arg18[%dma_start3A_182, %dma_start3A_183] : memref<10112x128xf32, #tpu.memory_space<vmem_shared>> -> memref<10112x128xf32, #tpu.memory_space<vmem_shared>>
        tpu.enqueue_indirect_dma source(%arg15 : memref<128x128xf32, #tpu.memory_space<vmem>>) target(%dma_start3A_184 : memref<10112x128xf32, #tpu.memory_space<vmem_shared>>) offsets(%dma_start3A_181 : memref<128xi32, #tpu.memory_space<vmem>>) semaphore(%run_scoped3A : memref<!tpu.dma_semaphore, #tpu.memory_space<semaphore_mem>>) {add = true}
        %dma_wait3A_185 = arith.constant 0 : i32
        %dma_wait3A_186 = tpu.memref_slice %arg13[%add3A_155, %dma_wait3A_185] : memref<40x128xi32, #tpu.memory_space<vmem>> -> memref<1x128xi32, #tpu.memory_space<vmem>>
        %dma_wait3A_187 = tpu.memref_squeeze %dma_wait3A_186 : memref<1x128xi32, #tpu.memory_space<vmem>> -> memref<128xi32, #tpu.memory_space<vmem>>
        %dma_wait3A_188 = arith.constant 0 : i32
        %dma_wait3A_189 = arith.constant 0 : i32
        %dma_wait3A_190 = tpu.memref_slice %arg18[%dma_wait3A_188, %dma_wait3A_189] : memref<10112x128xf32, #tpu.memory_space<vmem_shared>> -> memref<10112x128xf32, #tpu.memory_space<vmem_shared>>
        tpu.wait_indirect_dma semaphore(%run_scoped3A : memref<!tpu.dma_semaphore, #tpu.memory_space<semaphore_mem>>) src(%arg15 : memref<128x128xf32, #tpu.memory_space<vmem>>) dst(%dma_wait3A_190 : memref<10112x128xf32, #tpu.memory_space<vmem_shared>>)
        tpu.yield
      }) : () -> ()
      %add3A_172 = arith.constant 2 : i32
      %add3A_173 = arith.addi %add3A_155, %add3A_172 : i32
      %lt3A_174 = arith.constant 40 : i32
      %lt3A_175 = arith.cmpi slt, %add3A_173, %lt3A_174 : i32
      %convert_element_type3A_176 = arith.extui %lt3A_175 : i1 to i32
      %cond3A_177 = arith.constant 0 : i32
      %cond3A_178 = arith.cmpi ne, %convert_element_type3A_176, %cond3A_177 : i32
      scf.if %cond3A_178 {
        %add3A_179 = arith.constant 2 : i32
        %add3A_180 = arith.addi %add3A_155, %add3A_179 : i32
        %dma_start3A_181 = arith.constant 0 : i32
        %dma_start3A_182 = tpu.memref_slice %arg12[%add3A_180, %dma_start3A_181] : memref<40x128xi32, #tpu.memory_space<vmem>> -> memref<1x128xi32, #tpu.memory_space<vmem>>
        %dma_start3A_183 = tpu.memref_squeeze %dma_start3A_182 : memref<1x128xi32, #tpu.memory_space<vmem>> -> memref<128xi32, #tpu.memory_space<vmem>>
        %dma_start3A_184 = arith.constant 0 : i32
        %dma_start3A_185 = arith.constant 0 : i32
        %dma_start3A_186 = tpu.memref_slice %arg2[%dma_start3A_184, %dma_start3A_185] : memref<10000x128xf32, #tpu.memory_space<hbm>> -> memref<10000x128xf32, #tpu.memory_space<hbm>>
        tpu.enqueue_indirect_dma source(%dma_start3A_186 : memref<10000x128xf32, #tpu.memory_space<hbm>>) target(%arg15 : memref<128x128xf32, #tpu.memory_space<vmem>>) offsets(%dma_start3A_183 : memref<128xi32, #tpu.memory_space<vmem>>) semaphore(%arg21 : memref<!tpu.dma_semaphore, #tpu.memory_space<semaphore_mem>>)
      } else {
      }
    }
    %scan3A_37 = arith.constant 20 : i32
    %dma_wait3A = arith.constant 38 : i32
    %dma_wait3A_38 = arith.constant 0 : i32
    %dma_wait3A_39 = tpu.memref_slice %arg13[%dma_wait3A, %dma_wait3A_38] : memref<40x128xi32, #tpu.memory_space<vmem>> -> memref<1x128xi32, #tpu.memory_space<vmem>>
    %dma_wait3A_40 = tpu.memref_squeeze %dma_wait3A_39 : memref<1x128xi32, #tpu.memory_space<vmem>> -> memref<128xi32, #tpu.memory_space<vmem>>
    %dma_wait3A_41 = arith.constant 0 : i32
    %dma_wait3A_42 = tpu.memref_slice %arg19[%dma_wait3A_41] : memref<16384xf32, #tpu.memory_space<vmem_shared>> -> memref<16384xf32, #tpu.memory_space<vmem_shared>>
    tpu.wait_indirect_dma semaphore(%arg22 : memref<!tpu.dma_semaphore, #tpu.memory_space<semaphore_mem>>) src(%arg16 : memref<128xf32, #tpu.memory_space<vmem>>) dst(%dma_wait3A_42 : memref<16384xf32, #tpu.memory_space<vmem_shared>>)
    %dma_wait3A_43 = arith.constant 39 : i32
    %dma_wait3A_44 = arith.constant 0 : i32
    %dma_wait3A_45 = tpu.memref_slice %arg13[%dma_wait3A_43, %dma_wait3A_44] : memref<40x128xi32, #tpu.memory_space<vmem>> -> memref<1x128xi32, #tpu.memory_space<vmem>>
    %dma_wait3A_46 = tpu.memref_squeeze %dma_wait3A_45 : memref<1x128xi32, #tpu.memory_space<vmem>> -> memref<128xi32, #tpu.memory_space<vmem>>
    %dma_wait3A_47 = arith.constant 0 : i32
    %dma_wait3A_48 = tpu.memref_slice %arg19[%dma_wait3A_47] : memref<16384xf32, #tpu.memory_space<vmem_shared>> -> memref<16384xf32, #tpu.memory_space<vmem_shared>>
    tpu.wait_indirect_dma semaphore(%arg23 : memref<!tpu.dma_semaphore, #tpu.memory_space<semaphore_mem>>) src(%arg16 : memref<128xf32, #tpu.memory_space<vmem>>) dst(%dma_wait3A_48 : memref<16384xf32, #tpu.memory_space<vmem_shared>>)
    %lt3A_49 = arith.constant 31 : i32
    %lt3A_50 = arith.cmpi slt, %add3A, %lt3A_49 : i32
    %convert_element_type3A_51 = arith.extui %lt3A_50 : i1 to i32
    %cond3A_52 = arith.constant 0 : i32
    %cond3A_53 = arith.cmpi ne, %convert_element_type3A_51, %cond3A_52 : i32
    scf.if %cond3A_53 {
      %mul3A_123 = arith.constant 80 : i32
      %mul3A_124 = arith.muli %add3A, %mul3A_123 : i32
      %add3A_125 = arith.constant 40 : i32
      %add3A_126 = arith.addi %mul3A_124, %add3A_125 : i32
      %run_scoped3A = arith.constant 0 : i32
      "tpu.region"() ({
        %run_scoped3A_132 = tpu.sem_alloc : memref<!tpu.dma_semaphore, #tpu.memory_space<semaphore_mem>>
        %dma_start3A_133 = arith.constant 0 : i32
        %dma_start3A_134 = tpu.memref_slice %arg3[%run_scoped3A, %add3A_126, %dma_start3A_133] : memref<2x2500x128xi32, #tpu.memory_space<hbm>> -> memref<1x40x128xi32, #tpu.memory_space<hbm>>
        %dma_start3A_135 = tpu.memref_squeeze %dma_start3A_134 : memref<1x40x128xi32, #tpu.memory_space<hbm>> -> memref<40x128xi32, #tpu.memory_space<hbm>>
        %dma_start3A_136 = arith.constant 0 : i32
        %dma_start3A_137 = tpu.memref_slice %arg3[%run_scoped3A, %add3A_126, %dma_start3A_136] : memref<2x2500x128xi32, #tpu.memory_space<hbm>> -> memref<1x40x128xi32, #tpu.memory_space<hbm>>
        %dma_start3A_138 = tpu.memref_squeeze %dma_start3A_137 : memref<1x40x128xi32, #tpu.memory_space<hbm>> -> memref<40x128xi32, #tpu.memory_space<hbm>>
        tpu.enqueue_dma source(%dma_start3A_138 : memref<40x128xi32, #tpu.memory_space<hbm>>) target(%arg12 : memref<40x128xi32, #tpu.memory_space<vmem>>) target_semaphore(%run_scoped3A_132 : memref<!tpu.dma_semaphore, #tpu.memory_space<semaphore_mem>>)
        %dma_wait3A_139 = arith.constant 0 : i32
        %dma_wait3A_140 = tpu.memref_slice %arg3[%run_scoped3A, %add3A_126, %dma_wait3A_139] : memref<2x2500x128xi32, #tpu.memory_space<hbm>> -> memref<1x40x128xi32, #tpu.memory_space<hbm>>
        %dma_wait3A_141 = tpu.memref_squeeze %dma_wait3A_140 : memref<1x40x128xi32, #tpu.memory_space<hbm>> -> memref<40x128xi32, #tpu.memory_space<hbm>>
        %dma_wait3A_142 = arith.constant 0 : i32
        %dma_wait3A_143 = tpu.memref_slice %arg3[%run_scoped3A, %add3A_126, %dma_wait3A_142] : memref<2x2500x128xi32, #tpu.memory_space<hbm>> -> memref<1x40x128xi32, #tpu.memory_space<hbm>>
        %dma_wait3A_144 = tpu.memref_squeeze %dma_wait3A_143 : memref<1x40x128xi32, #tpu.memory_space<hbm>> -> memref<40x128xi32, #tpu.memory_space<hbm>>
        tpu.wait_dma2 semaphore(%run_scoped3A_132 : memref<!tpu.dma_semaphore, #tpu.memory_space<semaphore_mem>>) src(%dma_wait3A_144 : memref<40x128xi32, #tpu.memory_space<hbm>>) dst(%arg12 : memref<40x128xi32, #tpu.memory_space<vmem>>)
        tpu.yield
      }) : () -> ()
      %mul3A_127 = arith.constant 80 : i32
      %mul3A_128 = arith.muli %add3A, %mul3A_127 : i32
      %add3A_129 = arith.constant 40 : i32
      %add3A_130 = arith.addi %mul3A_128, %add3A_129 : i32
      %run_scoped3A_131 = arith.constant 1 : i32
      "tpu.region"() ({
        %run_scoped3A_132 = tpu.sem_alloc : memref<!tpu.dma_semaphore, #tpu.memory_space<semaphore_mem>>
        %dma_start3A_133 = arith.constant 0 : i32
        %dma_start3A_134 = tpu.memref_slice %arg3[%run_scoped3A_131, %add3A_130, %dma_start3A_133] : memref<2x2500x128xi32, #tpu.memory_space<hbm>> -> memref<1x40x128xi32, #tpu.memory_space<hbm>>
        %dma_start3A_135 = tpu.memref_squeeze %dma_start3A_134 : memref<1x40x128xi32, #tpu.memory_space<hbm>> -> memref<40x128xi32, #tpu.memory_space<hbm>>
        %dma_start3A_136 = arith.constant 0 : i32
        %dma_start3A_137 = tpu.memref_slice %arg3[%run_scoped3A_131, %add3A_130, %dma_start3A_136] : memref<2x2500x128xi32, #tpu.memory_space<hbm>> -> memref<1x40x128xi32, #tpu.memory_space<hbm>>
        %dma_start3A_138 = tpu.memref_squeeze %dma_start3A_137 : memref<1x40x128xi32, #tpu.memory_space<hbm>> -> memref<40x128xi32, #tpu.memory_space<hbm>>
        tpu.enqueue_dma source(%dma_start3A_138 : memref<40x128xi32, #tpu.memory_space<hbm>>) target(%arg13 : memref<40x128xi32, #tpu.memory_space<vmem>>) target_semaphore(%run_scoped3A_132 : memref<!tpu.dma_semaphore, #tpu.memory_space<semaphore_mem>>)
        %dma_wait3A_139 = arith.constant 0 : i32
        %dma_wait3A_140 = tpu.memref_slice %arg3[%run_scoped3A_131, %add3A_130, %dma_wait3A_139] : memref<2x2500x128xi32, #tpu.memory_space<hbm>> -> memref<1x40x128xi32, #tpu.memory_space<hbm>>
        %dma_wait3A_141 = tpu.memref_squeeze %dma_wait3A_140 : memref<1x40x128xi32, #tpu.memory_space<hbm>> -> memref<40x128xi32, #tpu.memory_space<hbm>>
        %dma_wait3A_142 = arith.constant 0 : i32
        %dma_wait3A_143 = tpu.memref_slice %arg3[%run_scoped3A_131, %add3A_130, %dma_wait3A_142] : memref<2x2500x128xi32, #tpu.memory_space<hbm>> -> memref<1x40x128xi32, #tpu.memory_space<hbm>>
        %dma_wait3A_144 = tpu.memref_squeeze %dma_wait3A_143 : memref<1x40x128xi32, #tpu.memory_space<hbm>> -> memref<40x128xi32, #tpu.memory_space<hbm>>
        tpu.wait_dma2 semaphore(%run_scoped3A_132 : memref<!tpu.dma_semaphore, #tpu.memory_space<semaphore_mem>>) src(%dma_wait3A_144 : memref<40x128xi32, #tpu.memory_space<hbm>>) dst(%arg13 : memref<40x128xi32, #tpu.memory_space<vmem>>)
        tpu.yield
      }) : () -> ()
    } else {
    }
    %eq3A_54 = arith.constant 31 : i32
    %eq3A_55 = arith.cmpi eq, %add3A, %eq3A_54 : i32
    %convert_element_type3A_56 = arith.extui %eq3A_55 : i1 to i32
    %cond3A_57 = arith.constant 0 : i32
    %cond3A_58 = arith.cmpi ne, %convert_element_type3A_56, %cond3A_57 : i32
    scf.if %cond3A_58 {
      "tpu.region"() ({
        %run_scoped3A = tpu.sem_alloc : memref<!tpu.dma_semaphore, #tpu.memory_space<semaphore_mem>>
        %dma_start3A_123 = arith.constant 40 : i32
        %dma_start3A_124 = arith.constant 0 : i32
        %dma_start3A_125 = tpu.memref_slice %arg4[%dma_start3A_123, %dma_start3A_124] : memref<80x128xi32, #tpu.memory_space<hbm>> -> memref<40x128xi32, #tpu.memory_space<hbm>>
        %dma_start3A_126 = arith.constant 40 : i32
        %dma_start3A_127 = arith.constant 0 : i32
        %dma_start3A_128 = tpu.memref_slice %arg4[%dma_start3A_126, %dma_start3A_127] : memref<80x128xi32, #tpu.memory_space<hbm>> -> memref<40x128xi32, #tpu.memory_space<hbm>>
        tpu.enqueue_dma source(%dma_start3A_128 : memref<40x128xi32, #tpu.memory_space<hbm>>) target(%arg12 : memref<40x128xi32, #tpu.memory_space<vmem>>) target_semaphore(%run_scoped3A : memref<!tpu.dma_semaphore, #tpu.memory_space<semaphore_mem>>)
        %dma_wait3A_129 = arith.constant 40 : i32
        %dma_wait3A_130 = arith.constant 0 : i32
        %dma_wait3A_131 = tpu.memref_slice %arg4[%dma_wait3A_129, %dma_wait3A_130] : memref<80x128xi32, #tpu.memory_space<hbm>> -> memref<40x128xi32, #tpu.memory_space<hbm>>
        %dma_wait3A_132 = arith.constant 40 : i32
        %dma_wait3A_133 = arith.constant 0 : i32
        %dma_wait3A_134 = tpu.memref_slice %arg4[%dma_wait3A_132, %dma_wait3A_133] : memref<80x128xi32, #tpu.memory_space<hbm>> -> memref<40x128xi32, #tpu.memory_space<hbm>>
        tpu.wait_dma2 semaphore(%run_scoped3A : memref<!tpu.dma_semaphore, #tpu.memory_space<semaphore_mem>>) src(%dma_wait3A_134 : memref<40x128xi32, #tpu.memory_space<hbm>>) dst(%arg12 : memref<40x128xi32, #tpu.memory_space<vmem>>)
        tpu.yield
      }) : () -> ()
      "tpu.region"() ({
        %run_scoped3A = tpu.sem_alloc : memref<!tpu.dma_semaphore, #tpu.memory_space<semaphore_mem>>
        %dma_start3A_123 = arith.constant 40 : i32
        %dma_start3A_124 = arith.constant 0 : i32
        %dma_start3A_125 = tpu.memref_slice %arg5[%dma_start3A_123, %dma_start3A_124] : memref<80x128xi32, #tpu.memory_space<hbm>> -> memref<40x128xi32, #tpu.memory_space<hbm>>
        %dma_start3A_126 = arith.constant 40 : i32
        %dma_start3A_127 = arith.constant 0 : i32
        %dma_start3A_128 = tpu.memref_slice %arg5[%dma_start3A_126, %dma_start3A_127] : memref<80x128xi32, #tpu.memory_space<hbm>> -> memref<40x128xi32, #tpu.memory_space<hbm>>
        tpu.enqueue_dma source(%dma_start3A_128 : memref<40x128xi32, #tpu.memory_space<hbm>>) target(%arg13 : memref<40x128xi32, #tpu.memory_space<vmem>>) target_semaphore(%run_scoped3A : memref<!tpu.dma_semaphore, #tpu.memory_space<semaphore_mem>>)
        %dma_wait3A_129 = arith.constant 40 : i32
        %dma_wait3A_130 = arith.constant 0 : i32
        %dma_wait3A_131 = tpu.memref_slice %arg5[%dma_wait3A_129, %dma_wait3A_130] : memref<80x128xi32, #tpu.memory_space<hbm>> -> memref<40x128xi32, #tpu.memory_space<hbm>>
        %dma_wait3A_132 = arith.constant 40 : i32
        %dma_wait3A_133 = arith.constant 0 : i32
        %dma_wait3A_134 = tpu.memref_slice %arg5[%dma_wait3A_132, %dma_wait3A_133] : memref<80x128xi32, #tpu.memory_space<hbm>> -> memref<40x128xi32, #tpu.memory_space<hbm>>
        tpu.wait_dma2 semaphore(%run_scoped3A : memref<!tpu.dma_semaphore, #tpu.memory_space<semaphore_mem>>) src(%dma_wait3A_134 : memref<40x128xi32, #tpu.memory_space<hbm>>) dst(%arg13 : memref<40x128xi32, #tpu.memory_space<vmem>>)
        tpu.yield
      }) : () -> ()
    } else {
    }
    %dma_start3A_59 = arith.constant 0 : i32
    %dma_start3A_60 = arith.constant 0 : i32
    %dma_start3A_61 = tpu.memref_slice %arg12[%dma_start3A_59, %dma_start3A_60] : memref<40x128xi32, #tpu.memory_space<vmem>> -> memref<1x128xi32, #tpu.memory_space<vmem>>
    %dma_start3A_62 = tpu.memref_squeeze %dma_start3A_61 : memref<1x128xi32, #tpu.memory_space<vmem>> -> memref<128xi32, #tpu.memory_space<vmem>>
    %dma_start3A_63 = arith.constant 0 : i32
    %dma_start3A_64 = arith.constant 0 : i32
    %dma_start3A_65 = tpu.memref_slice %arg2[%dma_start3A_63, %dma_start3A_64] : memref<10000x128xf32, #tpu.memory_space<hbm>> -> memref<10000x128xf32, #tpu.memory_space<hbm>>
    tpu.enqueue_indirect_dma source(%dma_start3A_65 : memref<10000x128xf32, #tpu.memory_space<hbm>>) target(%arg14 : memref<128x128xf32, #tpu.memory_space<vmem>>) offsets(%dma_start3A_62 : memref<128xi32, #tpu.memory_space<vmem>>) semaphore(%arg20 : memref<!tpu.dma_semaphore, #tpu.memory_space<semaphore_mem>>)
    %dma_start3A_66 = arith.constant 1 : i32
    %dma_start3A_67 = arith.constant 0 : i32
    %dma_start3A_68 = tpu.memref_slice %arg12[%dma_start3A_66, %dma_start3A_67] : memref<40x128xi32, #tpu.memory_space<vmem>> -> memref<1x128xi32, #tpu.memory_space<vmem>>
    %dma_start3A_69 = tpu.memref_squeeze %dma_start3A_68 : memref<1x128xi32, #tpu.memory_space<vmem>> -> memref<128xi32, #tpu.memory_space<vmem>>
    %dma_start3A_70 = arith.constant 0 : i32
    %dma_start3A_71 = arith.constant 0 : i32
    %dma_start3A_72 = tpu.memref_slice %arg2[%dma_start3A_70, %dma_start3A_71] : memref<10000x128xf32, #tpu.memory_space<hbm>> -> memref<10000x128xf32, #tpu.memory_space<hbm>>
    tpu.enqueue_indirect_dma source(%dma_start3A_72 : memref<10000x128xf32, #tpu.memory_space<hbm>>) target(%arg15 : memref<128x128xf32, #tpu.memory_space<vmem>>) offsets(%dma_start3A_69 : memref<128xi32, #tpu.memory_space<vmem>>) semaphore(%arg21 : memref<!tpu.dma_semaphore, #tpu.memory_space<semaphore_mem>>)
    %scan3A_73 = arith.constant 0 : i32
    %scan3A_74 = arith.constant 20 : i32
    %scan3A_75 = arith.addi %scan3A_73, %scan3A_74 : i32
    %scan3A_76 = arith.constant 1 : i32
    scf.for %scan3A_123 = %scan3A_73 to %scan3A_75 step %scan3A_76  : i32 {
      %mul3A_124 = arith.constant 1 : i32
      %mul3A_125 = arith.muli %scan3A_123, %mul3A_124 : i32
      %add3A_126 = arith.constant 0 : i32
      %add3A_127 = arith.addi %add3A_126, %mul3A_125 : i32
      %mul3A_128 = arith.constant 2 : i32
      %mul3A_129 = arith.muli %mul3A_128, %add3A_127 : i32
      %add3A_130 = arith.constant 0 : i32
      %add3A_131 = arith.addi %mul3A_129, %add3A_130 : i32
      %dma_wait3A_132 = arith.constant 0 : i32
      %dma_wait3A_133 = tpu.memref_slice %arg12[%add3A_131, %dma_wait3A_132] : memref<40x128xi32, #tpu.memory_space<vmem>> -> memref<1x128xi32, #tpu.memory_space<vmem>>
      %dma_wait3A_134 = tpu.memref_squeeze %dma_wait3A_133 : memref<1x128xi32, #tpu.memory_space<vmem>> -> memref<128xi32, #tpu.memory_space<vmem>>
      %dma_wait3A_135 = arith.constant 0 : i32
      %dma_wait3A_136 = arith.constant 0 : i32
      %dma_wait3A_137 = tpu.memref_slice %arg2[%dma_wait3A_135, %dma_wait3A_136] : memref<10000x128xf32, #tpu.memory_space<hbm>> -> memref<10000x128xf32, #tpu.memory_space<hbm>>
      tpu.wait_indirect_dma semaphore(%arg20 : memref<!tpu.dma_semaphore, #tpu.memory_space<semaphore_mem>>) src(%dma_wait3A_137 : memref<10000x128xf32, #tpu.memory_space<hbm>>) dst(%arg14 : memref<128x128xf32, #tpu.memory_space<vmem>>)
      %ge3A = arith.constant 2 : i32
      %ge3A_138 = arith.cmpi sge, %add3A_131, %ge3A : i32
      %convert_element_type3A_139 = arith.extui %ge3A_138 : i1 to i32
      %cond3A_140 = arith.constant 0 : i32
      %cond3A_141 = arith.cmpi ne, %convert_element_type3A_139, %cond3A_140 : i32
      scf.if %cond3A_141 {
        %sub3A = arith.constant 2 : i32
        %sub3A_179 = arith.subi %add3A_131, %sub3A : i32
        %dma_wait3A_180 = arith.constant 0 : i32
        %dma_wait3A_181 = tpu.memref_slice %arg13[%sub3A_179, %dma_wait3A_180] : memref<40x128xi32, #tpu.memory_space<vmem>> -> memref<1x128xi32, #tpu.memory_space<vmem>>
        %dma_wait3A_182 = tpu.memref_squeeze %dma_wait3A_181 : memref<1x128xi32, #tpu.memory_space<vmem>> -> memref<128xi32, #tpu.memory_space<vmem>>
        %dma_wait3A_183 = arith.constant 0 : i32
        %dma_wait3A_184 = tpu.memref_slice %arg19[%dma_wait3A_183] : memref<16384xf32, #tpu.memory_space<vmem_shared>> -> memref<16384xf32, #tpu.memory_space<vmem_shared>>
        tpu.wait_indirect_dma semaphore(%arg22 : memref<!tpu.dma_semaphore, #tpu.memory_space<semaphore_mem>>) src(%arg16 : memref<128xf32, #tpu.memory_space<vmem>>) dst(%dma_wait3A_184 : memref<16384xf32, #tpu.memory_space<vmem_shared>>)
      } else {
      }
      %dma_start3A_142 = arith.constant 0 : i32
      %dma_start3A_143 = tpu.memref_slice %arg13[%add3A_131, %dma_start3A_142] : memref<40x128xi32, #tpu.memory_space<vmem>> -> memref<1x128xi32, #tpu.memory_space<vmem>>
      %dma_start3A_144 = tpu.memref_squeeze %dma_start3A_143 : memref<1x128xi32, #tpu.memory_space<vmem>> -> memref<128xi32, #tpu.memory_space<vmem>>
      %dma_start3A_145 = arith.constant 0 : i32
      %dma_start3A_146 = tpu.memref_slice %arg19[%dma_start3A_145] : memref<16384xf32, #tpu.memory_space<vmem_shared>> -> memref<16384xf32, #tpu.memory_space<vmem_shared>>
      tpu.enqueue_indirect_dma source(%arg16 : memref<128xf32, #tpu.memory_space<vmem>>) target(%dma_start3A_146 : memref<16384xf32, #tpu.memory_space<vmem_shared>>) offsets(%dma_start3A_144 : memref<128xi32, #tpu.memory_space<vmem>>) semaphore(%arg22 : memref<!tpu.dma_semaphore, #tpu.memory_space<semaphore_mem>>) {add = true}
      "tpu.region"() ({
        %run_scoped3A = tpu.sem_alloc : memref<!tpu.dma_semaphore, #tpu.memory_space<semaphore_mem>>
        %dma_start3A_179 = arith.constant 0 : i32
        %dma_start3A_180 = tpu.memref_slice %arg13[%add3A_131, %dma_start3A_179] : memref<40x128xi32, #tpu.memory_space<vmem>> -> memref<1x128xi32, #tpu.memory_space<vmem>>
        %dma_start3A_181 = tpu.memref_squeeze %dma_start3A_180 : memref<1x128xi32, #tpu.memory_space<vmem>> -> memref<128xi32, #tpu.memory_space<vmem>>
        %dma_start3A_182 = arith.constant 0 : i32
        %dma_start3A_183 = arith.constant 0 : i32
        %dma_start3A_184 = tpu.memref_slice %arg18[%dma_start3A_182, %dma_start3A_183] : memref<10112x128xf32, #tpu.memory_space<vmem_shared>> -> memref<10112x128xf32, #tpu.memory_space<vmem_shared>>
        tpu.enqueue_indirect_dma source(%arg14 : memref<128x128xf32, #tpu.memory_space<vmem>>) target(%dma_start3A_184 : memref<10112x128xf32, #tpu.memory_space<vmem_shared>>) offsets(%dma_start3A_181 : memref<128xi32, #tpu.memory_space<vmem>>) semaphore(%run_scoped3A : memref<!tpu.dma_semaphore, #tpu.memory_space<semaphore_mem>>) {add = true}
        %dma_wait3A_185 = arith.constant 0 : i32
        %dma_wait3A_186 = tpu.memref_slice %arg13[%add3A_131, %dma_wait3A_185] : memref<40x128xi32, #tpu.memory_space<vmem>> -> memref<1x128xi32, #tpu.memory_space<vmem>>
        %dma_wait3A_187 = tpu.memref_squeeze %dma_wait3A_186 : memref<1x128xi32, #tpu.memory_space<vmem>> -> memref<128xi32, #tpu.memory_space<vmem>>
        %dma_wait3A_188 = arith.constant 0 : i32
        %dma_wait3A_189 = arith.constant 0 : i32
        %dma_wait3A_190 = tpu.memref_slice %arg18[%dma_wait3A_188, %dma_wait3A_189] : memref<10112x128xf32, #tpu.memory_space<vmem_shared>> -> memref<10112x128xf32, #tpu.memory_space<vmem_shared>>
        tpu.wait_indirect_dma semaphore(%run_scoped3A : memref<!tpu.dma_semaphore, #tpu.memory_space<semaphore_mem>>) src(%arg14 : memref<128x128xf32, #tpu.memory_space<vmem>>) dst(%dma_wait3A_190 : memref<10112x128xf32, #tpu.memory_space<vmem_shared>>)
        tpu.yield
      }) : () -> ()
      %add3A_147 = arith.constant 2 : i32
      %add3A_148 = arith.addi %add3A_131, %add3A_147 : i32
      %lt3A_149 = arith.constant 40 : i32
      %lt3A_150 = arith.cmpi slt, %add3A_148, %lt3A_149 : i32
      %convert_element_type3A_151 = arith.extui %lt3A_150 : i1 to i32
      %cond3A_152 = arith.constant 0 : i32
      %cond3A_153 = arith.cmpi ne, %convert_element_type3A_151, %cond3A_152 : i32
      scf.if %cond3A_153 {
        %add3A_179 = arith.constant 2 : i32
        %add3A_180 = arith.addi %add3A_131, %add3A_179 : i32
        %dma_start3A_181 = arith.constant 0 : i32
        %dma_start3A_182 = tpu.memref_slice %arg12[%add3A_180, %dma_start3A_181] : memref<40x128xi32, #tpu.memory_space<vmem>> -> memref<1x128xi32, #tpu.memory_space<vmem>>
        %dma_start3A_183 = tpu.memref_squeeze %dma_start3A_182 : memref<1x128xi32, #tpu.memory_space<vmem>> -> memref<128xi32, #tpu.memory_space<vmem>>
        %dma_start3A_184 = arith.constant 0 : i32
        %dma_start3A_185 = arith.constant 0 : i32
        %dma_start3A_186 = tpu.memref_slice %arg2[%dma_start3A_184, %dma_start3A_185] : memref<10000x128xf32, #tpu.memory_space<hbm>> -> memref<10000x128xf32, #tpu.memory_space<hbm>>
        tpu.enqueue_indirect_dma source(%dma_start3A_186 : memref<10000x128xf32, #tpu.memory_space<hbm>>) target(%arg14 : memref<128x128xf32, #tpu.memory_space<vmem>>) offsets(%dma_start3A_183 : memref<128xi32, #tpu.memory_space<vmem>>) semaphore(%arg20 : memref<!tpu.dma_semaphore, #tpu.memory_space<semaphore_mem>>)
      } else {
      }
      %add3A_154 = arith.constant 1 : i32
      %add3A_155 = arith.addi %mul3A_129, %add3A_154 : i32
      %dma_wait3A_156 = arith.constant 0 : i32
      %dma_wait3A_157 = tpu.memref_slice %arg12[%add3A_155, %dma_wait3A_156] : memref<40x128xi32, #tpu.memory_space<vmem>> -> memref<1x128xi32, #tpu.memory_space<vmem>>
      %dma_wait3A_158 = tpu.memref_squeeze %dma_wait3A_157 : memref<1x128xi32, #tpu.memory_space<vmem>> -> memref<128xi32, #tpu.memory_space<vmem>>
      %dma_wait3A_159 = arith.constant 0 : i32
      %dma_wait3A_160 = arith.constant 0 : i32
      %dma_wait3A_161 = tpu.memref_slice %arg2[%dma_wait3A_159, %dma_wait3A_160] : memref<10000x128xf32, #tpu.memory_space<hbm>> -> memref<10000x128xf32, #tpu.memory_space<hbm>>
      tpu.wait_indirect_dma semaphore(%arg21 : memref<!tpu.dma_semaphore, #tpu.memory_space<semaphore_mem>>) src(%dma_wait3A_161 : memref<10000x128xf32, #tpu.memory_space<hbm>>) dst(%arg15 : memref<128x128xf32, #tpu.memory_space<vmem>>)
      %ge3A_162 = arith.constant 2 : i32
      %ge3A_163 = arith.cmpi sge, %add3A_155, %ge3A_162 : i32
      %convert_element_type3A_164 = arith.extui %ge3A_163 : i1 to i32
      %cond3A_165 = arith.constant 0 : i32
      %cond3A_166 = arith.cmpi ne, %convert_element_type3A_164, %cond3A_165 : i32
      scf.if %cond3A_166 {
        %sub3A = arith.constant 2 : i32
        %sub3A_179 = arith.subi %add3A_155, %sub3A : i32
        %dma_wait3A_180 = arith.constant 0 : i32
        %dma_wait3A_181 = tpu.memref_slice %arg13[%sub3A_179, %dma_wait3A_180] : memref<40x128xi32, #tpu.memory_space<vmem>> -> memref<1x128xi32, #tpu.memory_space<vmem>>
        %dma_wait3A_182 = tpu.memref_squeeze %dma_wait3A_181 : memref<1x128xi32, #tpu.memory_space<vmem>> -> memref<128xi32, #tpu.memory_space<vmem>>
        %dma_wait3A_183 = arith.constant 0 : i32
        %dma_wait3A_184 = tpu.memref_slice %arg19[%dma_wait3A_183] : memref<16384xf32, #tpu.memory_space<vmem_shared>> -> memref<16384xf32, #tpu.memory_space<vmem_shared>>
        tpu.wait_indirect_dma semaphore(%arg23 : memref<!tpu.dma_semaphore, #tpu.memory_space<semaphore_mem>>) src(%arg16 : memref<128xf32, #tpu.memory_space<vmem>>) dst(%dma_wait3A_184 : memref<16384xf32, #tpu.memory_space<vmem_shared>>)
      } else {
      }
      %dma_start3A_167 = arith.constant 0 : i32
      %dma_start3A_168 = tpu.memref_slice %arg13[%add3A_155, %dma_start3A_167] : memref<40x128xi32, #tpu.memory_space<vmem>> -> memref<1x128xi32, #tpu.memory_space<vmem>>
      %dma_start3A_169 = tpu.memref_squeeze %dma_start3A_168 : memref<1x128xi32, #tpu.memory_space<vmem>> -> memref<128xi32, #tpu.memory_space<vmem>>
      %dma_start3A_170 = arith.constant 0 : i32
      %dma_start3A_171 = tpu.memref_slice %arg19[%dma_start3A_170] : memref<16384xf32, #tpu.memory_space<vmem_shared>> -> memref<16384xf32, #tpu.memory_space<vmem_shared>>
      tpu.enqueue_indirect_dma source(%arg16 : memref<128xf32, #tpu.memory_space<vmem>>) target(%dma_start3A_171 : memref<16384xf32, #tpu.memory_space<vmem_shared>>) offsets(%dma_start3A_169 : memref<128xi32, #tpu.memory_space<vmem>>) semaphore(%arg23 : memref<!tpu.dma_semaphore, #tpu.memory_space<semaphore_mem>>) {add = true}
      "tpu.region"() ({
        %run_scoped3A = tpu.sem_alloc : memref<!tpu.dma_semaphore, #tpu.memory_space<semaphore_mem>>
        %dma_start3A_179 = arith.constant 0 : i32
        %dma_start3A_180 = tpu.memref_slice %arg13[%add3A_155, %dma_start3A_179] : memref<40x128xi32, #tpu.memory_space<vmem>> -> memref<1x128xi32, #tpu.memory_space<vmem>>
        %dma_start3A_181 = tpu.memref_squeeze %dma_start3A_180 : memref<1x128xi32, #tpu.memory_space<vmem>> -> memref<128xi32, #tpu.memory_space<vmem>>
        %dma_start3A_182 = arith.constant 0 : i32
        %dma_start3A_183 = arith.constant 0 : i32
        %dma_start3A_184 = tpu.memref_slice %arg18[%dma_start3A_182, %dma_start3A_183] : memref<10112x128xf32, #tpu.memory_space<vmem_shared>> -> memref<10112x128xf32, #tpu.memory_space<vmem_shared>>
        tpu.enqueue_indirect_dma source(%arg15 : memref<128x128xf32, #tpu.memory_space<vmem>>) target(%dma_start3A_184 : memref<10112x128xf32, #tpu.memory_space<vmem_shared>>) offsets(%dma_start3A_181 : memref<128xi32, #tpu.memory_space<vmem>>) semaphore(%run_scoped3A : memref<!tpu.dma_semaphore, #tpu.memory_space<semaphore_mem>>) {add = true}
        %dma_wait3A_185 = arith.constant 0 : i32
        %dma_wait3A_186 = tpu.memref_slice %arg13[%add3A_155, %dma_wait3A_185] : memref<40x128xi32, #tpu.memory_space<vmem>> -> memref<1x128xi32, #tpu.memory_space<vmem>>
        %dma_wait3A_187 = tpu.memref_squeeze %dma_wait3A_186 : memref<1x128xi32, #tpu.memory_space<vmem>> -> memref<128xi32, #tpu.memory_space<vmem>>
        %dma_wait3A_188 = arith.constant 0 : i32
        %dma_wait3A_189 = arith.constant 0 : i32
        %dma_wait3A_190 = tpu.memref_slice %arg18[%dma_wait3A_188, %dma_wait3A_189] : memref<10112x128xf32, #tpu.memory_space<vmem_shared>> -> memref<10112x128xf32, #tpu.memory_space<vmem_shared>>
        tpu.wait_indirect_dma semaphore(%run_scoped3A : memref<!tpu.dma_semaphore, #tpu.memory_space<semaphore_mem>>) src(%arg15 : memref<128x128xf32, #tpu.memory_space<vmem>>) dst(%dma_wait3A_190 : memref<10112x128xf32, #tpu.memory_space<vmem_shared>>)
        tpu.yield
      }) : () -> ()
      %add3A_172 = arith.constant 2 : i32
      %add3A_173 = arith.addi %add3A_155, %add3A_172 : i32
      %lt3A_174 = arith.constant 40 : i32
      %lt3A_175 = arith.cmpi slt, %add3A_173, %lt3A_174 : i32
      %convert_element_type3A_176 = arith.extui %lt3A_175 : i1 to i32
      %cond3A_177 = arith.constant 0 : i32
      %cond3A_178 = arith.cmpi ne, %convert_element_type3A_176, %cond3A_177 : i32
      scf.if %cond3A_178 {
        %add3A_179 = arith.constant 2 : i32
        %add3A_180 = arith.addi %add3A_155, %add3A_179 : i32
        %dma_start3A_181 = arith.constant 0 : i32
        %dma_start3A_182 = tpu.memref_slice %arg12[%add3A_180, %dma_start3A_181] : memref<40x128xi32, #tpu.memory_space<vmem>> -> memref<1x128xi32, #tpu.memory_space<vmem>>
        %dma_start3A_183 = tpu.memref_squeeze %dma_start3A_182 : memref<1x128xi32, #tpu.memory_space<vmem>> -> memref<128xi32, #tpu.memory_space<vmem>>
        %dma_start3A_184 = arith.constant 0 : i32
        %dma_start3A_185 = arith.constant 0 : i32
        %dma_start3A_186 = tpu.memref_slice %arg2[%dma_start3A_184, %dma_start3A_185] : memref<10000x128xf32, #tpu.memory_space<hbm>> -> memref<10000x128xf32, #tpu.memory_space<hbm>>
        tpu.enqueue_indirect_dma source(%dma_start3A_186 : memref<10000x128xf32, #tpu.memory_space<hbm>>) target(%arg15 : memref<128x128xf32, #tpu.memory_space<vmem>>) offsets(%dma_start3A_183 : memref<128xi32, #tpu.memory_space<vmem>>) semaphore(%arg21 : memref<!tpu.dma_semaphore, #tpu.memory_space<semaphore_mem>>)
      } else {
      }
    }
    %scan3A_77 = arith.constant 20 : i32
    %dma_wait3A_78 = arith.constant 38 : i32
    %dma_wait3A_79 = arith.constant 0 : i32
    %dma_wait3A_80 = tpu.memref_slice %arg13[%dma_wait3A_78, %dma_wait3A_79] : memref<40x128xi32, #tpu.memory_space<vmem>> -> memref<1x128xi32, #tpu.memory_space<vmem>>
    %dma_wait3A_81 = tpu.memref_squeeze %dma_wait3A_80 : memref<1x128xi32, #tpu.memory_space<vmem>> -> memref<128xi32, #tpu.memory_space<vmem>>
    %dma_wait3A_82 = arith.constant 0 : i32
    %dma_wait3A_83 = tpu.memref_slice %arg19[%dma_wait3A_82] : memref<16384xf32, #tpu.memory_space<vmem_shared>> -> memref<16384xf32, #tpu.memory_space<vmem_shared>>
    tpu.wait_indirect_dma semaphore(%arg22 : memref<!tpu.dma_semaphore, #tpu.memory_space<semaphore_mem>>) src(%arg16 : memref<128xf32, #tpu.memory_space<vmem>>) dst(%dma_wait3A_83 : memref<16384xf32, #tpu.memory_space<vmem_shared>>)
    %dma_wait3A_84 = arith.constant 39 : i32
    %dma_wait3A_85 = arith.constant 0 : i32
    %dma_wait3A_86 = tpu.memref_slice %arg13[%dma_wait3A_84, %dma_wait3A_85] : memref<40x128xi32, #tpu.memory_space<vmem>> -> memref<1x128xi32, #tpu.memory_space<vmem>>
    %dma_wait3A_87 = tpu.memref_squeeze %dma_wait3A_86 : memref<1x128xi32, #tpu.memory_space<vmem>> -> memref<128xi32, #tpu.memory_space<vmem>>
    %dma_wait3A_88 = arith.constant 0 : i32
    %dma_wait3A_89 = tpu.memref_slice %arg19[%dma_wait3A_88] : memref<16384xf32, #tpu.memory_space<vmem_shared>> -> memref<16384xf32, #tpu.memory_space<vmem_shared>>
    tpu.wait_indirect_dma semaphore(%arg23 : memref<!tpu.dma_semaphore, #tpu.memory_space<semaphore_mem>>) src(%arg16 : memref<128xf32, #tpu.memory_space<vmem>>) dst(%dma_wait3A_89 : memref<16384xf32, #tpu.memory_space<vmem_shared>>)
    %barrier3A_90 = arith.constant 0 : index
    tpu.barrier barrier_id(%barrier3A_90)
    %add3A_91 = arith.constant 0 : i32
    %add3A_92 = arith.addi %mul3A_2, %add3A_91 : i32
    "tpu.region"() ({
      %run_scoped3A = tpu.sem_alloc : memref<!tpu.dma_semaphore, #tpu.memory_space<semaphore_mem>>
      %dma_start3A_123 = arith.constant 0 : i32
      %dma_start3A_124 = tpu.memref_slice %arg18[%add3A_92, %dma_start3A_123] : memref<10112x128xf32, #tpu.memory_space<vmem_shared>> -> memref<128x128xf32, #tpu.memory_space<vmem_shared>>
      %dma_start3A_125 = arith.constant 0 : i32
      %dma_start3A_126 = tpu.memref_slice %arg18[%add3A_92, %dma_start3A_125] : memref<10112x128xf32, #tpu.memory_space<vmem_shared>> -> memref<128x128xf32, #tpu.memory_space<vmem_shared>>
      tpu.enqueue_dma source(%dma_start3A_126 : memref<128x128xf32, #tpu.memory_space<vmem_shared>>) target(%arg14 : memref<128x128xf32, #tpu.memory_space<vmem>>) target_semaphore(%run_scoped3A : memref<!tpu.dma_semaphore, #tpu.memory_space<semaphore_mem>>)
      %dma_wait3A_127 = arith.constant 0 : i32
      %dma_wait3A_128 = tpu.memref_slice %arg18[%add3A_92, %dma_wait3A_127] : memref<10112x128xf32, #tpu.memory_space<vmem_shared>> -> memref<128x128xf32, #tpu.memory_space<vmem_shared>>
      %dma_wait3A_129 = arith.constant 0 : i32
      %dma_wait3A_130 = tpu.memref_slice %arg18[%add3A_92, %dma_wait3A_129] : memref<10112x128xf32, #tpu.memory_space<vmem_shared>> -> memref<128x128xf32, #tpu.memory_space<vmem_shared>>
      tpu.wait_dma2 semaphore(%run_scoped3A : memref<!tpu.dma_semaphore, #tpu.memory_space<semaphore_mem>>) src(%dma_wait3A_130 : memref<128x128xf32, #tpu.memory_space<vmem_shared>>) dst(%arg14 : memref<128x128xf32, #tpu.memory_space<vmem>>)
      tpu.yield
    }) : () -> ()
    %add3A_93 = arith.constant 0 : i32
    %add3A_94 = arith.addi %mul3A_2, %add3A_93 : i32
    "tpu.region"() ({
      %run_scoped3A = tpu.sem_alloc : memref<!tpu.dma_semaphore, #tpu.memory_space<semaphore_mem>>
      %dma_start3A_123 = arith.constant 0 : i32
      %dma_start3A_124 = tpu.memref_slice %arg9[%arg0, %add3A_94, %dma_start3A_123] : memref<2x10112x128xf32, #tpu.memory_space<hbm>> -> memref<1x128x128xf32, #tpu.memory_space<hbm>>
      %dma_start3A_125 = tpu.memref_squeeze %dma_start3A_124 : memref<1x128x128xf32, #tpu.memory_space<hbm>> -> memref<128x128xf32, #tpu.memory_space<hbm>>
      %dma_start3A_126 = arith.constant 0 : i32
      %dma_start3A_127 = tpu.memref_slice %arg9[%arg0, %add3A_94, %dma_start3A_126] : memref<2x10112x128xf32, #tpu.memory_space<hbm>> -> memref<1x128x128xf32, #tpu.memory_space<hbm>>
      %dma_start3A_128 = tpu.memref_squeeze %dma_start3A_127 : memref<1x128x128xf32, #tpu.memory_space<hbm>> -> memref<128x128xf32, #tpu.memory_space<hbm>>
      tpu.enqueue_dma source(%arg14 : memref<128x128xf32, #tpu.memory_space<vmem>>) target(%dma_start3A_128 : memref<128x128xf32, #tpu.memory_space<hbm>>) target_semaphore(%run_scoped3A : memref<!tpu.dma_semaphore, #tpu.memory_space<semaphore_mem>>)
      %dma_wait3A_129 = arith.constant 0 : i32
      %dma_wait3A_130 = tpu.memref_slice %arg9[%arg0, %add3A_94, %dma_wait3A_129] : memref<2x10112x128xf32, #tpu.memory_space<hbm>> -> memref<1x128x128xf32, #tpu.memory_space<hbm>>
      %dma_wait3A_131 = tpu.memref_squeeze %dma_wait3A_130 : memref<1x128x128xf32, #tpu.memory_space<hbm>> -> memref<128x128xf32, #tpu.memory_space<hbm>>
      %dma_wait3A_132 = arith.constant 0 : i32
      %dma_wait3A_133 = tpu.memref_slice %arg9[%arg0, %add3A_94, %dma_wait3A_132] : memref<2x10112x128xf32, #tpu.memory_space<hbm>> -> memref<1x128x128xf32, #tpu.memory_space<hbm>>
      %dma_wait3A_134 = tpu.memref_squeeze %dma_wait3A_133 : memref<1x128x128xf32, #tpu.memory_space<hbm>> -> memref<128x128xf32, #tpu.memory_space<hbm>>
      tpu.wait_dma2 semaphore(%run_scoped3A : memref<!tpu.dma_semaphore, #tpu.memory_space<semaphore_mem>>) src(%arg14 : memref<128x128xf32, #tpu.memory_space<vmem>>) dst(%dma_wait3A_134 : memref<128x128xf32, #tpu.memory_space<hbm>>)
      tpu.yield
    }) : () -> ()
    %add3A_95 = arith.constant 128 : i32
    %add3A_96 = arith.addi %mul3A_2, %add3A_95 : i32
    "tpu.region"() ({
      %run_scoped3A = tpu.sem_alloc : memref<!tpu.dma_semaphore, #tpu.memory_space<semaphore_mem>>
      %dma_start3A_123 = arith.constant 0 : i32
      %dma_start3A_124 = tpu.memref_slice %arg18[%add3A_96, %dma_start3A_123] : memref<10112x128xf32, #tpu.memory_space<vmem_shared>> -> memref<128x128xf32, #tpu.memory_space<vmem_shared>>
      %dma_start3A_125 = arith.constant 0 : i32
      %dma_start3A_126 = tpu.memref_slice %arg18[%add3A_96, %dma_start3A_125] : memref<10112x128xf32, #tpu.memory_space<vmem_shared>> -> memref<128x128xf32, #tpu.memory_space<vmem_shared>>
      tpu.enqueue_dma source(%dma_start3A_126 : memref<128x128xf32, #tpu.memory_space<vmem_shared>>) target(%arg14 : memref<128x128xf32, #tpu.memory_space<vmem>>) target_semaphore(%run_scoped3A : memref<!tpu.dma_semaphore, #tpu.memory_space<semaphore_mem>>)
      %dma_wait3A_127 = arith.constant 0 : i32
      %dma_wait3A_128 = tpu.memref_slice %arg18[%add3A_96, %dma_wait3A_127] : memref<10112x128xf32, #tpu.memory_space<vmem_shared>> -> memref<128x128xf32, #tpu.memory_space<vmem_shared>>
      %dma_wait3A_129 = arith.constant 0 : i32
      %dma_wait3A_130 = tpu.memref_slice %arg18[%add3A_96, %dma_wait3A_129] : memref<10112x128xf32, #tpu.memory_space<vmem_shared>> -> memref<128x128xf32, #tpu.memory_space<vmem_shared>>
      tpu.wait_dma2 semaphore(%run_scoped3A : memref<!tpu.dma_semaphore, #tpu.memory_space<semaphore_mem>>) src(%dma_wait3A_130 : memref<128x128xf32, #tpu.memory_space<vmem_shared>>) dst(%arg14 : memref<128x128xf32, #tpu.memory_space<vmem>>)
      tpu.yield
    }) : () -> ()
    %add3A_97 = arith.constant 128 : i32
    %add3A_98 = arith.addi %mul3A_2, %add3A_97 : i32
    "tpu.region"() ({
      %run_scoped3A = tpu.sem_alloc : memref<!tpu.dma_semaphore, #tpu.memory_space<semaphore_mem>>
      %dma_start3A_123 = arith.constant 0 : i32
      %dma_start3A_124 = tpu.memref_slice %arg9[%arg0, %add3A_98, %dma_start3A_123] : memref<2x10112x128xf32, #tpu.memory_space<hbm>> -> memref<1x128x128xf32, #tpu.memory_space<hbm>>
      %dma_start3A_125 = tpu.memref_squeeze %dma_start3A_124 : memref<1x128x128xf32, #tpu.memory_space<hbm>> -> memref<128x128xf32, #tpu.memory_space<hbm>>
      %dma_start3A_126 = arith.constant 0 : i32
      %dma_start3A_127 = tpu.memref_slice %arg9[%arg0, %add3A_98, %dma_start3A_126] : memref<2x10112x128xf32, #tpu.memory_space<hbm>> -> memref<1x128x128xf32, #tpu.memory_space<hbm>>
      %dma_start3A_128 = tpu.memref_squeeze %dma_start3A_127 : memref<1x128x128xf32, #tpu.memory_space<hbm>> -> memref<128x128xf32, #tpu.memory_space<hbm>>
      tpu.enqueue_dma source(%arg14 : memref<128x128xf32, #tpu.memory_space<vmem>>) target(%dma_start3A_128 : memref<128x128xf32, #tpu.memory_space<hbm>>) target_semaphore(%run_scoped3A : memref<!tpu.dma_semaphore, #tpu.memory_space<semaphore_mem>>)
      %dma_wait3A_129 = arith.constant 0 : i32
      %dma_wait3A_130 = tpu.memref_slice %arg9[%arg0, %add3A_98, %dma_wait3A_129] : memref<2x10112x128xf32, #tpu.memory_space<hbm>> -> memref<1x128x128xf32, #tpu.memory_space<hbm>>
      %dma_wait3A_131 = tpu.memref_squeeze %dma_wait3A_130 : memref<1x128x128xf32, #tpu.memory_space<hbm>> -> memref<128x128xf32, #tpu.memory_space<hbm>>
      %dma_wait3A_132 = arith.constant 0 : i32
      %dma_wait3A_133 = tpu.memref_slice %arg9[%arg0, %add3A_98, %dma_wait3A_132] : memref<2x10112x128xf32, #tpu.memory_space<hbm>> -> memref<1x128x128xf32, #tpu.memory_space<hbm>>
      %dma_wait3A_134 = tpu.memref_squeeze %dma_wait3A_133 : memref<1x128x128xf32, #tpu.memory_space<hbm>> -> memref<128x128xf32, #tpu.memory_space<hbm>>
      tpu.wait_dma2 semaphore(%run_scoped3A : memref<!tpu.dma_semaphore, #tpu.memory_space<semaphore_mem>>) src(%arg14 : memref<128x128xf32, #tpu.memory_space<vmem>>) dst(%dma_wait3A_134 : memref<128x128xf32, #tpu.memory_space<hbm>>)
      tpu.yield
    }) : () -> ()
    %add3A_99 = arith.constant 256 : i32
    %add3A_100 = arith.addi %mul3A_2, %add3A_99 : i32
    "tpu.region"() ({
      %run_scoped3A = tpu.sem_alloc : memref<!tpu.dma_semaphore, #tpu.memory_space<semaphore_mem>>
      %dma_start3A_123 = arith.constant 0 : i32
      %dma_start3A_124 = tpu.memref_slice %arg18[%add3A_100, %dma_start3A_123] : memref<10112x128xf32, #tpu.memory_space<vmem_shared>> -> memref<128x128xf32, #tpu.memory_space<vmem_shared>>
      %dma_start3A_125 = arith.constant 0 : i32
      %dma_start3A_126 = tpu.memref_slice %arg18[%add3A_100, %dma_start3A_125] : memref<10112x128xf32, #tpu.memory_space<vmem_shared>> -> memref<128x128xf32, #tpu.memory_space<vmem_shared>>
      tpu.enqueue_dma source(%dma_start3A_126 : memref<128x128xf32, #tpu.memory_space<vmem_shared>>) target(%arg14 : memref<128x128xf32, #tpu.memory_space<vmem>>) target_semaphore(%run_scoped3A : memref<!tpu.dma_semaphore, #tpu.memory_space<semaphore_mem>>)
      %dma_wait3A_127 = arith.constant 0 : i32
      %dma_wait3A_128 = tpu.memref_slice %arg18[%add3A_100, %dma_wait3A_127] : memref<10112x128xf32, #tpu.memory_space<vmem_shared>> -> memref<128x128xf32, #tpu.memory_space<vmem_shared>>
      %dma_wait3A_129 = arith.constant 0 : i32
      %dma_wait3A_130 = tpu.memref_slice %arg18[%add3A_100, %dma_wait3A_129] : memref<10112x128xf32, #tpu.memory_space<vmem_shared>> -> memref<128x128xf32, #tpu.memory_space<vmem_shared>>
      tpu.wait_dma2 semaphore(%run_scoped3A : memref<!tpu.dma_semaphore, #tpu.memory_space<semaphore_mem>>) src(%dma_wait3A_130 : memref<128x128xf32, #tpu.memory_space<vmem_shared>>) dst(%arg14 : memref<128x128xf32, #tpu.memory_space<vmem>>)
      tpu.yield
    }) : () -> ()
    %add3A_101 = arith.constant 256 : i32
    %add3A_102 = arith.addi %mul3A_2, %add3A_101 : i32
    "tpu.region"() ({
      %run_scoped3A = tpu.sem_alloc : memref<!tpu.dma_semaphore, #tpu.memory_space<semaphore_mem>>
      %dma_start3A_123 = arith.constant 0 : i32
      %dma_start3A_124 = tpu.memref_slice %arg9[%arg0, %add3A_102, %dma_start3A_123] : memref<2x10112x128xf32, #tpu.memory_space<hbm>> -> memref<1x128x128xf32, #tpu.memory_space<hbm>>
      %dma_start3A_125 = tpu.memref_squeeze %dma_start3A_124 : memref<1x128x128xf32, #tpu.memory_space<hbm>> -> memref<128x128xf32, #tpu.memory_space<hbm>>
      %dma_start3A_126 = arith.constant 0 : i32
      %dma_start3A_127 = tpu.memref_slice %arg9[%arg0, %add3A_102, %dma_start3A_126] : memref<2x10112x128xf32, #tpu.memory_space<hbm>> -> memref<1x128x128xf32, #tpu.memory_space<hbm>>
      %dma_start3A_128 = tpu.memref_squeeze %dma_start3A_127 : memref<1x128x128xf32, #tpu.memory_space<hbm>> -> memref<128x128xf32, #tpu.memory_space<hbm>>
      tpu.enqueue_dma source(%arg14 : memref<128x128xf32, #tpu.memory_space<vmem>>) target(%dma_start3A_128 : memref<128x128xf32, #tpu.memory_space<hbm>>) target_semaphore(%run_scoped3A : memref<!tpu.dma_semaphore, #tpu.memory_space<semaphore_mem>>)
      %dma_wait3A_129 = arith.constant 0 : i32
      %dma_wait3A_130 = tpu.memref_slice %arg9[%arg0, %add3A_102, %dma_wait3A_129] : memref<2x10112x128xf32, #tpu.memory_space<hbm>> -> memref<1x128x128xf32, #tpu.memory_space<hbm>>
      %dma_wait3A_131 = tpu.memref_squeeze %dma_wait3A_130 : memref<1x128x128xf32, #tpu.memory_space<hbm>> -> memref<128x128xf32, #tpu.memory_space<hbm>>
      %dma_wait3A_132 = arith.constant 0 : i32
      %dma_wait3A_133 = tpu.memref_slice %arg9[%arg0, %add3A_102, %dma_wait3A_132] : memref<2x10112x128xf32, #tpu.memory_space<hbm>> -> memref<1x128x128xf32, #tpu.memory_space<hbm>>
      %dma_wait3A_134 = tpu.memref_squeeze %dma_wait3A_133 : memref<1x128x128xf32, #tpu.memory_space<hbm>> -> memref<128x128xf32, #tpu.memory_space<hbm>>
      tpu.wait_dma2 semaphore(%run_scoped3A : memref<!tpu.dma_semaphore, #tpu.memory_space<semaphore_mem>>) src(%arg14 : memref<128x128xf32, #tpu.memory_space<vmem>>) dst(%dma_wait3A_134 : memref<128x128xf32, #tpu.memory_space<hbm>>)
      tpu.yield
    }) : () -> ()
    %add3A_103 = arith.constant 384 : i32
    %add3A_104 = arith.addi %mul3A_2, %add3A_103 : i32
    "tpu.region"() ({
      %run_scoped3A = tpu.sem_alloc : memref<!tpu.dma_semaphore, #tpu.memory_space<semaphore_mem>>
      %dma_start3A_123 = arith.constant 0 : i32
      %dma_start3A_124 = tpu.memref_slice %arg18[%add3A_104, %dma_start3A_123] : memref<10112x128xf32, #tpu.memory_space<vmem_shared>> -> memref<128x128xf32, #tpu.memory_space<vmem_shared>>
      %dma_start3A_125 = arith.constant 0 : i32
      %dma_start3A_126 = tpu.memref_slice %arg18[%add3A_104, %dma_start3A_125] : memref<10112x128xf32, #tpu.memory_space<vmem_shared>> -> memref<128x128xf32, #tpu.memory_space<vmem_shared>>
      tpu.enqueue_dma source(%dma_start3A_126 : memref<128x128xf32, #tpu.memory_space<vmem_shared>>) target(%arg14 : memref<128x128xf32, #tpu.memory_space<vmem>>) target_semaphore(%run_scoped3A : memref<!tpu.dma_semaphore, #tpu.memory_space<semaphore_mem>>)
      %dma_wait3A_127 = arith.constant 0 : i32
      %dma_wait3A_128 = tpu.memref_slice %arg18[%add3A_104, %dma_wait3A_127] : memref<10112x128xf32, #tpu.memory_space<vmem_shared>> -> memref<128x128xf32, #tpu.memory_space<vmem_shared>>
      %dma_wait3A_129 = arith.constant 0 : i32
      %dma_wait3A_130 = tpu.memref_slice %arg18[%add3A_104, %dma_wait3A_129] : memref<10112x128xf32, #tpu.memory_space<vmem_shared>> -> memref<128x128xf32, #tpu.memory_space<vmem_shared>>
      tpu.wait_dma2 semaphore(%run_scoped3A : memref<!tpu.dma_semaphore, #tpu.memory_space<semaphore_mem>>) src(%dma_wait3A_130 : memref<128x128xf32, #tpu.memory_space<vmem_shared>>) dst(%arg14 : memref<128x128xf32, #tpu.memory_space<vmem>>)
      tpu.yield
    }) : () -> ()
    %add3A_105 = arith.constant 384 : i32
    %add3A_106 = arith.addi %mul3A_2, %add3A_105 : i32
    "tpu.region"() ({
      %run_scoped3A = tpu.sem_alloc : memref<!tpu.dma_semaphore, #tpu.memory_space<semaphore_mem>>
      %dma_start3A_123 = arith.constant 0 : i32
      %dma_start3A_124 = tpu.memref_slice %arg9[%arg0, %add3A_106, %dma_start3A_123] : memref<2x10112x128xf32, #tpu.memory_space<hbm>> -> memref<1x128x128xf32, #tpu.memory_space<hbm>>
      %dma_start3A_125 = tpu.memref_squeeze %dma_start3A_124 : memref<1x128x128xf32, #tpu.memory_space<hbm>> -> memref<128x128xf32, #tpu.memory_space<hbm>>
      %dma_start3A_126 = arith.constant 0 : i32
      %dma_start3A_127 = tpu.memref_slice %arg9[%arg0, %add3A_106, %dma_start3A_126] : memref<2x10112x128xf32, #tpu.memory_space<hbm>> -> memref<1x128x128xf32, #tpu.memory_space<hbm>>
      %dma_start3A_128 = tpu.memref_squeeze %dma_start3A_127 : memref<1x128x128xf32, #tpu.memory_space<hbm>> -> memref<128x128xf32, #tpu.memory_space<hbm>>
      tpu.enqueue_dma source(%arg14 : memref<128x128xf32, #tpu.memory_space<vmem>>) target(%dma_start3A_128 : memref<128x128xf32, #tpu.memory_space<hbm>>) target_semaphore(%run_scoped3A : memref<!tpu.dma_semaphore, #tpu.memory_space<semaphore_mem>>)
      %dma_wait3A_129 = arith.constant 0 : i32
      %dma_wait3A_130 = tpu.memref_slice %arg9[%arg0, %add3A_106, %dma_wait3A_129] : memref<2x10112x128xf32, #tpu.memory_space<hbm>> -> memref<1x128x128xf32, #tpu.memory_space<hbm>>
      %dma_wait3A_131 = tpu.memref_squeeze %dma_wait3A_130 : memref<1x128x128xf32, #tpu.memory_space<hbm>> -> memref<128x128xf32, #tpu.memory_space<hbm>>
      %dma_wait3A_132 = arith.constant 0 : i32
      %dma_wait3A_133 = tpu.memref_slice %arg9[%arg0, %add3A_106, %dma_wait3A_132] : memref<2x10112x128xf32, #tpu.memory_space<hbm>> -> memref<1x128x128xf32, #tpu.memory_space<hbm>>
      %dma_wait3A_134 = tpu.memref_squeeze %dma_wait3A_133 : memref<1x128x128xf32, #tpu.memory_space<hbm>> -> memref<128x128xf32, #tpu.memory_space<hbm>>
      tpu.wait_dma2 semaphore(%run_scoped3A : memref<!tpu.dma_semaphore, #tpu.memory_space<semaphore_mem>>) src(%arg14 : memref<128x128xf32, #tpu.memory_space<vmem>>) dst(%dma_wait3A_134 : memref<128x128xf32, #tpu.memory_space<hbm>>)
      tpu.yield
    }) : () -> ()
    %add3A_107 = arith.constant 512 : i32
    %add3A_108 = arith.addi %mul3A_2, %add3A_107 : i32
    "tpu.region"() ({
      %run_scoped3A = tpu.sem_alloc : memref<!tpu.dma_semaphore, #tpu.memory_space<semaphore_mem>>
      %dma_start3A_123 = arith.constant 0 : i32
      %dma_start3A_124 = arith.constant 0 : i32
      %dma_start3A_125 = tpu.memref_slice %arg14[%dma_start3A_123, %dma_start3A_124] : memref<128x128xf32, #tpu.memory_space<vmem>> -> memref<120x128xf32, #tpu.memory_space<vmem>>
      %dma_start3A_126 = arith.constant 0 : i32
      %dma_start3A_127 = tpu.memref_slice %arg18[%add3A_108, %dma_start3A_126] : memref<10112x128xf32, #tpu.memory_space<vmem_shared>> -> memref<120x128xf32, #tpu.memory_space<vmem_shared>>
      %dma_start3A_128 = arith.constant 0 : i32
      %dma_start3A_129 = arith.constant 0 : i32
      %dma_start3A_130 = tpu.memref_slice %arg14[%dma_start3A_128, %dma_start3A_129] : memref<128x128xf32, #tpu.memory_space<vmem>> -> memref<120x128xf32, #tpu.memory_space<vmem>>
      %dma_start3A_131 = arith.constant 0 : i32
      %dma_start3A_132 = tpu.memref_slice %arg18[%add3A_108, %dma_start3A_131] : memref<10112x128xf32, #tpu.memory_space<vmem_shared>> -> memref<120x128xf32, #tpu.memory_space<vmem_shared>>
      tpu.enqueue_dma source(%dma_start3A_132 : memref<120x128xf32, #tpu.memory_space<vmem_shared>>) target(%dma_start3A_130 : memref<120x128xf32, #tpu.memory_space<vmem>>) target_semaphore(%run_scoped3A : memref<!tpu.dma_semaphore, #tpu.memory_space<semaphore_mem>>)
      %dma_wait3A_133 = arith.constant 0 : i32
      %dma_wait3A_134 = arith.constant 0 : i32
      %dma_wait3A_135 = tpu.memref_slice %arg14[%dma_wait3A_133, %dma_wait3A_134] : memref<128x128xf32, #tpu.memory_space<vmem>> -> memref<120x128xf32, #tpu.memory_space<vmem>>
      %dma_wait3A_136 = arith.constant 0 : i32
      %dma_wait3A_137 = tpu.memref_slice %arg18[%add3A_108, %dma_wait3A_136] : memref<10112x128xf32, #tpu.memory_space<vmem_shared>> -> memref<120x128xf32, #tpu.memory_space<vmem_shared>>
      %dma_wait3A_138 = arith.constant 0 : i32
      %dma_wait3A_139 = arith.constant 0 : i32
      %dma_wait3A_140 = tpu.memref_slice %arg14[%dma_wait3A_138, %dma_wait3A_139] : memref<128x128xf32, #tpu.memory_space<vmem>> -> memref<120x128xf32, #tpu.memory_space<vmem>>
      %dma_wait3A_141 = arith.constant 0 : i32
      %dma_wait3A_142 = tpu.memref_slice %arg18[%add3A_108, %dma_wait3A_141] : memref<10112x128xf32, #tpu.memory_space<vmem_shared>> -> memref<120x128xf32, #tpu.memory_space<vmem_shared>>
      tpu.wait_dma2 semaphore(%run_scoped3A : memref<!tpu.dma_semaphore, #tpu.memory_space<semaphore_mem>>) src(%dma_wait3A_142 : memref<120x128xf32, #tpu.memory_space<vmem_shared>>) dst(%dma_wait3A_140 : memref<120x128xf32, #tpu.memory_space<vmem>>)
      tpu.yield
    }) : () -> ()
    %add3A_109 = arith.constant 512 : i32
    %add3A_110 = arith.addi %mul3A_2, %add3A_109 : i32
    "tpu.region"() ({
      %run_scoped3A = tpu.sem_alloc : memref<!tpu.dma_semaphore, #tpu.memory_space<semaphore_mem>>
      %dma_start3A_123 = arith.constant 0 : i32
      %dma_start3A_124 = arith.constant 0 : i32
      %dma_start3A_125 = tpu.memref_slice %arg14[%dma_start3A_123, %dma_start3A_124] : memref<128x128xf32, #tpu.memory_space<vmem>> -> memref<120x128xf32, #tpu.memory_space<vmem>>
      %dma_start3A_126 = arith.constant 0 : i32
      %dma_start3A_127 = tpu.memref_slice %arg9[%arg0, %add3A_110, %dma_start3A_126] : memref<2x10112x128xf32, #tpu.memory_space<hbm>> -> memref<1x120x128xf32, #tpu.memory_space<hbm>>
      %dma_start3A_128 = tpu.memref_squeeze %dma_start3A_127 : memref<1x120x128xf32, #tpu.memory_space<hbm>> -> memref<120x128xf32, #tpu.memory_space<hbm>>
      %dma_start3A_129 = arith.constant 0 : i32
      %dma_start3A_130 = tpu.memref_slice %arg9[%arg0, %add3A_110, %dma_start3A_129] : memref<2x10112x128xf32, #tpu.memory_space<hbm>> -> memref<1x120x128xf32, #tpu.memory_space<hbm>>
      %dma_start3A_131 = tpu.memref_squeeze %dma_start3A_130 : memref<1x120x128xf32, #tpu.memory_space<hbm>> -> memref<120x128xf32, #tpu.memory_space<hbm>>
      %dma_start3A_132 = arith.constant 0 : i32
      %dma_start3A_133 = arith.constant 0 : i32
      %dma_start3A_134 = tpu.memref_slice %arg14[%dma_start3A_132, %dma_start3A_133] : memref<128x128xf32, #tpu.memory_space<vmem>> -> memref<120x128xf32, #tpu.memory_space<vmem>>
      tpu.enqueue_dma source(%dma_start3A_134 : memref<120x128xf32, #tpu.memory_space<vmem>>) target(%dma_start3A_131 : memref<120x128xf32, #tpu.memory_space<hbm>>) target_semaphore(%run_scoped3A : memref<!tpu.dma_semaphore, #tpu.memory_space<semaphore_mem>>)
      %dma_wait3A_135 = arith.constant 0 : i32
      %dma_wait3A_136 = arith.constant 0 : i32
      %dma_wait3A_137 = tpu.memref_slice %arg14[%dma_wait3A_135, %dma_wait3A_136] : memref<128x128xf32, #tpu.memory_space<vmem>> -> memref<120x128xf32, #tpu.memory_space<vmem>>
      %dma_wait3A_138 = arith.constant 0 : i32
      %dma_wait3A_139 = tpu.memref_slice %arg9[%arg0, %add3A_110, %dma_wait3A_138] : memref<2x10112x128xf32, #tpu.memory_space<hbm>> -> memref<1x120x128xf32, #tpu.memory_space<hbm>>
      %dma_wait3A_140 = tpu.memref_squeeze %dma_wait3A_139 : memref<1x120x128xf32, #tpu.memory_space<hbm>> -> memref<120x128xf32, #tpu.memory_space<hbm>>
      %dma_wait3A_141 = arith.constant 0 : i32
      %dma_wait3A_142 = tpu.memref_slice %arg9[%arg0, %add3A_110, %dma_wait3A_141] : memref<2x10112x128xf32, #tpu.memory_space<hbm>> -> memref<1x120x128xf32, #tpu.memory_space<hbm>>
      %dma_wait3A_143 = tpu.memref_squeeze %dma_wait3A_142 : memref<1x120x128xf32, #tpu.memory_space<hbm>> -> memref<120x128xf32, #tpu.memory_space<hbm>>
      %dma_wait3A_144 = arith.constant 0 : i32
      %dma_wait3A_145 = arith.constant 0 : i32
      %dma_wait3A_146 = tpu.memref_slice %arg14[%dma_wait3A_144, %dma_wait3A_145] : memref<128x128xf32, #tpu.memory_space<vmem>> -> memref<120x128xf32, #tpu.memory_space<vmem>>
      tpu.wait_dma2 semaphore(%run_scoped3A : memref<!tpu.dma_semaphore, #tpu.memory_space<semaphore_mem>>) src(%dma_wait3A_146 : memref<120x128xf32, #tpu.memory_space<vmem>>) dst(%dma_wait3A_143 : memref<120x128xf32, #tpu.memory_space<hbm>>)
      tpu.yield
    }) : () -> ()
    %mul3A_111 = arith.constant 1024 : i32
    %mul3A_112 = arith.muli %arg1, %mul3A_111 : i32
    "tpu.region"() ({
      %run_scoped3A = tpu.sem_alloc : memref<!tpu.dma_semaphore, #tpu.memory_space<semaphore_mem>>
      %dma_start3A_123 = tpu.memref_slice %arg19[%mul3A_112] : memref<16384xf32, #tpu.memory_space<vmem_shared>> -> memref<1024xf32, #tpu.memory_space<vmem_shared>>
      %dma_start3A_124 = tpu.memref_slice %arg19[%mul3A_112] : memref<16384xf32, #tpu.memory_space<vmem_shared>> -> memref<1024xf32, #tpu.memory_space<vmem_shared>>
      tpu.enqueue_dma source(%dma_start3A_124 : memref<1024xf32, #tpu.memory_space<vmem_shared>>) target(%arg17 : memref<1024xf32, #tpu.memory_space<vmem>>) target_semaphore(%run_scoped3A : memref<!tpu.dma_semaphore, #tpu.memory_space<semaphore_mem>>)
      %dma_wait3A_125 = tpu.memref_slice %arg19[%mul3A_112] : memref<16384xf32, #tpu.memory_space<vmem_shared>> -> memref<1024xf32, #tpu.memory_space<vmem_shared>>
      %dma_wait3A_126 = tpu.memref_slice %arg19[%mul3A_112] : memref<16384xf32, #tpu.memory_space<vmem_shared>> -> memref<1024xf32, #tpu.memory_space<vmem_shared>>
      tpu.wait_dma2 semaphore(%run_scoped3A : memref<!tpu.dma_semaphore, #tpu.memory_space<semaphore_mem>>) src(%dma_wait3A_126 : memref<1024xf32, #tpu.memory_space<vmem_shared>>) dst(%arg17 : memref<1024xf32, #tpu.memory_space<vmem>>)
      tpu.yield
    }) : () -> ()
    %eq3A_113 = arith.constant 0 : i32
    %eq3A_114 = arith.cmpi eq, %arg0, %eq3A_113 : i32
    %convert_element_type3A_115 = arith.extui %eq3A_114 : i1 to i32
    %cond3A_116 = arith.constant 0 : i32
    %cond3A_117 = arith.cmpi ne, %convert_element_type3A_115, %cond3A_116 : i32
    scf.if %cond3A_117 {
      %mul3A_123 = arith.constant 1024 : i32
      %mul3A_124 = arith.muli %arg1, %mul3A_123 : i32
      "tpu.region"() ({
        %run_scoped3A = tpu.sem_alloc : memref<!tpu.dma_semaphore, #tpu.memory_space<semaphore_mem>>
        %dma_start3A_125 = tpu.memref_slice %arg10[%mul3A_124] : memref<16384xf32, #tpu.memory_space<hbm>> -> memref<1024xf32, #tpu.memory_space<hbm>>
        %dma_start3A_126 = tpu.memref_slice %arg10[%mul3A_124] : memref<16384xf32, #tpu.memory_space<hbm>> -> memref<1024xf32, #tpu.memory_space<hbm>>
        tpu.enqueue_dma source(%arg17 : memref<1024xf32, #tpu.memory_space<vmem>>) target(%dma_start3A_126 : memref<1024xf32, #tpu.memory_space<hbm>>) target_semaphore(%run_scoped3A : memref<!tpu.dma_semaphore, #tpu.memory_space<semaphore_mem>>)
        %dma_wait3A_127 = tpu.memref_slice %arg10[%mul3A_124] : memref<16384xf32, #tpu.memory_space<hbm>> -> memref<1024xf32, #tpu.memory_space<hbm>>
        %dma_wait3A_128 = tpu.memref_slice %arg10[%mul3A_124] : memref<16384xf32, #tpu.memory_space<hbm>> -> memref<1024xf32, #tpu.memory_space<hbm>>
        tpu.wait_dma2 semaphore(%run_scoped3A : memref<!tpu.dma_semaphore, #tpu.memory_space<semaphore_mem>>) src(%arg17 : memref<1024xf32, #tpu.memory_space<vmem>>) dst(%dma_wait3A_128 : memref<1024xf32, #tpu.memory_space<hbm>>)
        tpu.yield
      }) : () -> ()
    } else {
    }
    %eq3A_118 = arith.constant 1 : i32
    %eq3A_119 = arith.cmpi eq, %arg0, %eq3A_118 : i32
    %convert_element_type3A_120 = arith.extui %eq3A_119 : i1 to i32
    %cond3A_121 = arith.constant 0 : i32
    %cond3A_122 = arith.cmpi ne, %convert_element_type3A_120, %cond3A_121 : i32
    scf.if %cond3A_122 {
      %mul3A_123 = arith.constant 1024 : i32
      %mul3A_124 = arith.muli %arg1, %mul3A_123 : i32
      "tpu.region"() ({
        %run_scoped3A = tpu.sem_alloc : memref<!tpu.dma_semaphore, #tpu.memory_space<semaphore_mem>>
        %dma_start3A_125 = tpu.memref_slice %arg11[%mul3A_124] : memref<16384xf32, #tpu.memory_space<hbm>> -> memref<1024xf32, #tpu.memory_space<hbm>>
        %dma_start3A_126 = tpu.memref_slice %arg11[%mul3A_124] : memref<16384xf32, #tpu.memory_space<hbm>> -> memref<1024xf32, #tpu.memory_space<hbm>>
        tpu.enqueue_dma source(%arg17 : memref<1024xf32, #tpu.memory_space<vmem>>) target(%dma_start3A_126 : memref<1024xf32, #tpu.memory_space<hbm>>) target_semaphore(%run_scoped3A : memref<!tpu.dma_semaphore, #tpu.memory_space<semaphore_mem>>)
        %dma_wait3A_127 = tpu.memref_slice %arg11[%mul3A_124] : memref<16384xf32, #tpu.memory_space<hbm>> -> memref<1024xf32, #tpu.memory_space<hbm>>
        %dma_wait3A_128 = tpu.memref_slice %arg11[%mul3A_124] : memref<16384xf32, #tpu.memory_space<hbm>> -> memref<1024xf32, #tpu.memory_space<hbm>>
        tpu.wait_dma2 semaphore(%run_scoped3A : memref<!tpu.dma_semaphore, #tpu.memory_space<semaphore_mem>>) src(%arg17 : memref<1024xf32, #tpu.memory_space<vmem>>) dst(%dma_wait3A_128 : memref<1024xf32, #tpu.memory_space<hbm>>)
        tpu.yield
      }) : () -> ()
    } else {
    }
    return
  }
}

module attributes {stable_mosaic.version = 14 : i64} {
  func.func @_tc_mlp_body(%arg0: i32, %arg1: memref<2x2000x128xf32, #tpu.memory_space<vmem>>, %arg2: memref<2000x128xf32, #tpu.memory_space<vmem>>, %arg3: memref<128x128xf32, #tpu.memory_space<vmem>>, %arg4: memref<1x128xf32, #tpu.memory_space<vmem>>, %arg5: memref<128x128xf32, #tpu.memory_space<vmem>>, %arg6: memref<1x128xf32, #tpu.memory_space<vmem>>, %arg7: memref<128x128xf32, #tpu.memory_space<vmem>>, %arg8: memref<1x128xf32, #tpu.memory_space<vmem>>, %arg9: memref<2000x128xf32, #tpu.memory_space<vmem>>) attributes {dimension_semantics = [#tpu.dimension_semantics<arbitrary>], iteration_bounds = array<i64: 5>, scalar_prefetch = 0 : i64, scratch_operands = 0 : i64, tpu.core_type = #tpu.core_type<tc>, window_params = [{transform_indices = @transform_0, window_bounds = array<i64: 2, 2000, 128>}, {transform_indices = @transform_1, window_bounds = array<i64: 2000, 128>}, {pipeline_mode = #tpu.pipeline_mode<synchronous>, transform_indices = @transform_2, window_bounds = array<i64: 128, 128>}, {pipeline_mode = #tpu.pipeline_mode<synchronous>, transform_indices = @transform_3, window_bounds = array<i64: 1, 128>}, {pipeline_mode = #tpu.pipeline_mode<synchronous>, transform_indices = @transform_4, window_bounds = array<i64: 128, 128>}, {pipeline_mode = #tpu.pipeline_mode<synchronous>, transform_indices = @transform_5, window_bounds = array<i64: 1, 128>}, {pipeline_mode = #tpu.pipeline_mode<synchronous>, transform_indices = @transform_6, window_bounds = array<i64: 128, 128>}, {pipeline_mode = #tpu.pipeline_mode<synchronous>, transform_indices = @transform_7, window_bounds = array<i64: 1, 128>}, {transform_indices = @transform_8, window_bounds = array<i64: 2000, 128>}]} {
    %get3A = arith.constant 0 : index
    %get3A_0 = arith.constant 0 : index
    %get3A_1 = arith.constant 0 : index
    %get3A_2 = vector.load %arg1[%get3A, %get3A_0, %get3A_1] : memref<2x2000x128xf32, #tpu.memory_space<vmem>>, vector<1x2000x128xf32>
    %get3A_3 = vector.shape_cast %get3A_2 : vector<1x2000x128xf32> to vector<2000x128xf32>
    %get3A_4 = arith.constant 1 : index
    %get3A_5 = arith.constant 0 : index
    %get3A_6 = arith.constant 0 : index
    %get3A_7 = vector.load %arg1[%get3A_4, %get3A_5, %get3A_6] : memref<2x2000x128xf32, #tpu.memory_space<vmem>>, vector<1x2000x128xf32>
    %get3A_8 = vector.shape_cast %get3A_7 : vector<1x2000x128xf32> to vector<2000x128xf32>
    %add3A = arith.addf %get3A_3, %get3A_8 : vector<2000x128xf32>
    %get3A_9 = arith.constant 0 : index
    %get3A_10 = arith.constant 0 : index
    %get3A_11 = vector.load %arg2[%get3A_9, %get3A_10] : memref<2000x128xf32, #tpu.memory_space<vmem>>, vector<2000x128xf32>
    %max3A = arith.constant 1.000000e+00 : f32
    %max3A_12 = vector.broadcast %max3A : f32 to vector<2000x128xf32>
    %max3A_13 = arith.maximumf %get3A_11, %max3A_12 : vector<2000x128xf32>
    %div3A = arith.divf %add3A, %max3A_13 : vector<2000x128xf32>
    %get3A_14 = arith.constant 0 : index
    %get3A_15 = arith.constant 0 : index
    %get3A_16 = vector.load %arg3[%get3A_14, %get3A_15] : memref<128x128xf32, #tpu.memory_space<vmem>>, vector<128x128xf32>
    %dot_general3A = arith.constant dense<0.000000e+00> : vector<2000x128xf32>
    %dot_general3A_17 = tpu.matmul %div3A, %get3A_16, %dot_general3A {dimension_numbers = #tpu.dot_dimension_numbers<[1], [0], [0], [1], [0, 0, 1, 1], [], []>, transpose_lhs_hint = false} : vector<2000x128xf32>, vector<128x128xf32>, vector<2000x128xf32> -> vector<2000x128xf32>
    %get3A_18 = arith.constant 0 : index
    %get3A_19 = arith.constant 0 : index
    %get3A_20 = vector.load %arg4[%get3A_18, %get3A_19] : memref<1x128xf32, #tpu.memory_space<vmem>>, vector<1x128xf32>
    %add3A_21 = vector.broadcast %get3A_20 : vector<1x128xf32> to vector<2000x128xf32>
    %add3A_22 = arith.addf %dot_general3A_17, %add3A_21 : vector<2000x128xf32>
    %max3A_23 = arith.constant 0.000000e+00 : f32
    %max3A_24 = vector.broadcast %max3A_23 : f32 to vector<2000x128xf32>
    %max3A_25 = arith.maximumf %add3A_22, %max3A_24 : vector<2000x128xf32>
    %get3A_26 = arith.constant 0 : index
    %get3A_27 = arith.constant 0 : index
    %get3A_28 = vector.load %arg5[%get3A_26, %get3A_27] : memref<128x128xf32, #tpu.memory_space<vmem>>, vector<128x128xf32>
    %dot_general3A_29 = arith.constant dense<0.000000e+00> : vector<2000x128xf32>
    %dot_general3A_30 = tpu.matmul %max3A_25, %get3A_28, %dot_general3A_29 {dimension_numbers = #tpu.dot_dimension_numbers<[1], [0], [0], [1], [0, 0, 1, 1], [], []>, transpose_lhs_hint = false} : vector<2000x128xf32>, vector<128x128xf32>, vector<2000x128xf32> -> vector<2000x128xf32>
    %get3A_31 = arith.constant 0 : index
    %get3A_32 = arith.constant 0 : index
    %get3A_33 = vector.load %arg6[%get3A_31, %get3A_32] : memref<1x128xf32, #tpu.memory_space<vmem>>, vector<1x128xf32>
    %add3A_34 = vector.broadcast %get3A_33 : vector<1x128xf32> to vector<2000x128xf32>
    %add3A_35 = arith.addf %dot_general3A_30, %add3A_34 : vector<2000x128xf32>
    %max3A_36 = arith.constant 0.000000e+00 : f32
    %max3A_37 = vector.broadcast %max3A_36 : f32 to vector<2000x128xf32>
    %max3A_38 = arith.maximumf %add3A_35, %max3A_37 : vector<2000x128xf32>
    %get3A_39 = arith.constant 0 : index
    %get3A_40 = arith.constant 0 : index
    %get3A_41 = vector.load %arg7[%get3A_39, %get3A_40] : memref<128x128xf32, #tpu.memory_space<vmem>>, vector<128x128xf32>
    %dot_general3A_42 = arith.constant dense<0.000000e+00> : vector<2000x128xf32>
    %dot_general3A_43 = tpu.matmul %max3A_38, %get3A_41, %dot_general3A_42 {dimension_numbers = #tpu.dot_dimension_numbers<[1], [0], [0], [1], [0, 0, 1, 1], [], []>, transpose_lhs_hint = false} : vector<2000x128xf32>, vector<128x128xf32>, vector<2000x128xf32> -> vector<2000x128xf32>
    %get3A_44 = arith.constant 0 : index
    %get3A_45 = arith.constant 0 : index
    %get3A_46 = vector.load %arg8[%get3A_44, %get3A_45] : memref<1x128xf32, #tpu.memory_space<vmem>>, vector<1x128xf32>
    %add3A_47 = vector.broadcast %get3A_46 : vector<1x128xf32> to vector<2000x128xf32>
    %add3A_48 = arith.addf %dot_general3A_43, %add3A_47 : vector<2000x128xf32>
    %swap3A = arith.constant 0 : index
    %swap3A_49 = arith.constant 0 : index
    %swap3A_50 = vector.load %arg9[%swap3A, %swap3A_49] : memref<2000x128xf32, #tpu.memory_space<vmem>>, vector<2000x128xf32>
    tpu.vector_store %arg9[%swap3A, %swap3A_49], %add3A_48 {strides = array<i32>} : memref<2000x128xf32, #tpu.memory_space<vmem>>, vector<2000x128xf32>,
    return
  }
  func.func @transform_0(%arg0: i32) -> (i32, i32, i32) {
    %c0_i32 = arith.constant 0 : i32
    %c0_i32_0 = arith.constant 0 : i32
    %c0_i32_1 = arith.constant 0 : i32
    return %c0_i32, %arg0, %c0_i32_0 : i32, i32, i32
  }
  func.func @transform_1(%arg0: i32) -> (i32, i32) {
    %c0_i32 = arith.constant 0 : i32
    %c0_i32_0 = arith.constant 0 : i32
    return %arg0, %c0_i32 : i32, i32
  }
  func.func @transform_2(%arg0: i32) -> (i32, i32) {
    %c0_i32 = arith.constant 0 : i32
    %c0_i32_0 = arith.constant 0 : i32
    %c0_i32_1 = arith.constant 0 : i32
    return %c0_i32, %c0_i32_0 : i32, i32
  }
  func.func @transform_3(%arg0: i32) -> (i32, i32) {
    %c0_i32 = arith.constant 0 : i32
    %c0_i32_0 = arith.constant 0 : i32
    %c0_i32_1 = arith.constant 0 : i32
    return %c0_i32, %c0_i32_0 : i32, i32
  }
  func.func @transform_4(%arg0: i32) -> (i32, i32) {
    %c0_i32 = arith.constant 0 : i32
    %c0_i32_0 = arith.constant 0 : i32
    %c0_i32_1 = arith.constant 0 : i32
    return %c0_i32, %c0_i32_0 : i32, i32
  }
  func.func @transform_5(%arg0: i32) -> (i32, i32) {
    %c0_i32 = arith.constant 0 : i32
    %c0_i32_0 = arith.constant 0 : i32
    %c0_i32_1 = arith.constant 0 : i32
    return %c0_i32, %c0_i32_0 : i32, i32
  }
  func.func @transform_6(%arg0: i32) -> (i32, i32) {
    %c0_i32 = arith.constant 0 : i32
    %c0_i32_0 = arith.constant 0 : i32
    %c0_i32_1 = arith.constant 0 : i32
    return %c0_i32, %c0_i32_0 : i32, i32
  }
  func.func @transform_7(%arg0: i32) -> (i32, i32) {
    %c0_i32 = arith.constant 0 : i32
    %c0_i32_0 = arith.constant 0 : i32
    %c0_i32_1 = arith.constant 0 : i32
    return %c0_i32, %c0_i32_0 : i32, i32
  }
  func.func @transform_8(%arg0: i32) -> (i32, i32) {
    %c0_i32 = arith.constant 0 : i32
    %c0_i32_0 = arith.constant 0 : i32
    return %arg0, %c0_i32 : i32, i32
  }
}

</mosaic_0001>

<sc_bundles>
// kernel: kernel.4.cloned.1.call-start
scs
__scs_entry_jumppad:
0x0: {  	(pc) =	sbr.rel $0x88, $3  }
0x1: {  	(tag) =	ssettag $0x0;
	lr =	simm.s32 $0x1  }
0x2: {  	[smem:$0x3F99] =	sst lr;
	_ =	strace $0xD0000000  }
0x3: {  	_ = 	snop  }
0x4: {  	_ = 	snop  }
0x5: {  	_ = 	snop  }
0x6: {  	_ = 	snop  }
0x7: {  	_ = 	snop  }
__scs_overlays_trampoline_lowered:
0x8: {  	[smem:$0x3FA8] =	sst s0  }
0x9: {  	[smem:$0x3FA9] =	sst s1  }
0xa: {  	[smem:$0x3FAA] =	sst s2  }
0xb: {  	[smem:$0x3FAB] =	sst s3  }
0xc: {  	[smem:$0x3FAC] =	sst s4  }
0xd: {  	[smem:$0x3FAD] =	sst s5  }
0xe: {  	[smem:$0x3FAE] =	sst s6  }
0xf: {  	[smem:$0x3FAF] =	sst s7  }
0x10: {  	[smem:$0x3FB0] =	sst s8  }
0x11: {  	[smem:$0x3FB1] =	sst s9;
	s0 =	simm.s32 @!p0 $0x0  }
0x12: {  	s1 =	sld [smem:$0x3F97];
	s0 =	simm.s32 @p0 $0x1  }
0x13: {  	[smem:$0x3FB2] =	sst s0;
	s0 =	simm.s32 @!p1 $0x0  }
0x14: {  	s2 =	sld [smem:$0x3F96];
	s0 =	simm.s32 @p1 $0x1  }
0x15: {  	[smem:$0x3FB3] =	sst s0;
	s0 =	simm.s32 @!p2 $0x0  }
0x16: {  	s3 =	sld [smem:$0x3FDB];
	s0 =	simm.s32 @p2 $0x1  }
0x17: {  	s4 =	simm.s32 $0x1BF5;
	[smem:$0x3FB5] =	sst s0  }
0x18: {  	s0 =	sld [smem:$0x3F98];
	_ =	swait.ge [sflag:s4], $0x0  }
0x19: {  	s7 =	sld [smem:$0x3F99]  }
0x1a: {  	s8 =	sadd.s32 $0xFFFFE003, lr  }
0x1b: {  	s9 =	sadd.s32 $0xFFFFFEF7, lr;
	s5 =	simm.s32 $0xFFFFFFFF;
	p2 =	slt.u32 s8, $0xFFFFF086  }
0x1c: {  	p1 =	slt.u32 s9, $0xF7A;
	s5 =	simm.s32 @!p2 $0x0  }
0x1d: {  	s5 =	simm.s32 @p1 $0x1;
	p0 =	seq.s32 s7, s2  }
0x1e: {  	s7 =	smul.u32 @!p0 $0xF7A, s2;
	p2 =	seq.s32 @!p0 s5, $0x0  }
0x1f: {  	s9 =	smul.u32 $0xF7A, s1;
	s8 =	simm.s32 @!p0 $0x1BF5;
	p2 =	por !p2, p0  }
0x20: {  	[sflag:s8] =	ssyncset.s32 @!p0 $0xFFFFF086;
	s6 =	sadd.s32 @!p0 s3, s7;
	s7 =	simm.s32 @!p0 $0x108  }
0x21: {  	s3 =	sadd.s32 s3, s9;
	s6 =	sadd.s32 @!p0 $0x88, s6;
	s7 =	simm.s32 @p2 $0x1082  }
0x22: {  	[simem:s7], [sflag:s8] =	dma.local @!p0 [hbm:s6], $0xF7A  }
0x23: {  	s9 =	sor.u32 $0xD0000000, s2;
	s6 =	simm.s32 $0x108;
	_ =	swait.ge @!p0 [sflag:s8], $0x0  }
0x24: {  	s3 =	sadd.s32 $0x88, s3;
	s6 =	simm.s32 @!p1 $0x1082;
	[sflag:s4] =	ssyncset.s32 $0xFFFFF086  }
0x25: {  	[simem:s6], [sflag:s4] =	dma.local [hbm:s3], $0xF7A  }
0x26: {  	[smem:$0x3F99] =	sst s1;
	(tag) =	ssettag s2;
	_ =	strace s9  }
0x27: {  	s1 =	sld [smem:$0x3FA9]  }
0x28: {  	s2 =	sld [smem:$0x3FAA]  }
0x29: {  	s4 =	sld [smem:$0x3FAC]  }
0x2a: {  	p0 =	seq.s32 s5, $0x0;
	s5 =	sld [smem:$0x3FAD]  }
0x2b: {  	s6 =	sld [smem:$0x3FAE]  }
0x2c: {  	s7 =	sld [smem:$0x3FAF]  }
0x2d: {  	s3 =	simm.s32 $0x108;
	s8 =	sld [smem:$0x3FB0]  }
0x2e: {  	s3 =	simm.s32 @!p0 $0x1082;
	s9 =	sld [smem:$0x3FB1]  }
0x2f: {  	lr =	sadd.s32 s0, s3;
	s0 =	sld [smem:$0x3FA8]  }
0x30: {  	s3 =	sld [smem:$0x3FAB]  }
0x31: {  	[smem:$0x3FB4] =	sst s10  }
0x32: {  	s10 =	sld [smem:$0x3FB2];
	_ =	sdelay $0x3  }
0x33: {  	p0 =	seq.s32 s10, $0x1;
	s10 =	sld [smem:$0x3FB4];
	_ =	sdelay $0x3  }
0x34: {  	[smem:$0x3FB4] =	sst s10  }
0x35: {  	s10 =	sld [smem:$0x3FB3];
	_ =	sdelay $0x3  }
0x36: {  	p1 =	seq.s32 s10, $0x1;
	s10 =	sld [smem:$0x3FB4];
	_ =	sdelay $0x3  }
0x37: {  	[smem:$0x3FB4] =	sst s10  }
0x38: {  	s10 =	sld [smem:$0x3FB5]  }
0x39: {  	_ = 	snop;
	(pc) =	sbr.ind lr, $3  }
0x3a: {  	_ = 	snop  }
0x3b: {  	_ = 	snop  }
0x3c: {  	p2 =	seq.s32 s10, $0x1;
	s10 =	sld [smem:$0x3FB4]  }
0x3d: {  	_ =	shalt  }
0x3e: {  	_ =	shalt  }
0x3f: {  	_ =	shalt  }
0x40: {  	_ =	shalt  }
0x41: {  	_ =	shalt  }
0x42: {  	_ =	shalt  }
0x43: {  	_ =	shalt  }
0x44: {  	_ =	shalt  }
0x45: {  	_ =	shalt  }
0x46: {  	_ =	shalt  }
0x47: {  	_ =	shalt  }
0x48: {  	_ =	shalt  }
0x49: {  	_ =	shalt  }
0x4a: {  	_ =	shalt  }
0x4b: {  	_ =	shalt  }
0x4c: {  	_ =	shalt  }
0x4d: {  	_ =	shalt  }
0x4e: {  	_ =	shalt  }
0x4f: {  	_ =	shalt  }
0x50: {  	_ =	shalt  }
0x51: {  	_ =	shalt  }
0x52: {  	_ =	shalt  }
0x53: {  	_ =	shalt  }
0x54: {  	_ =	shalt  }
0x55: {  	_ =	shalt  }
0x56: {  	_ =	shalt  }
0x57: {  	_ =	shalt  }
0x58: {  	_ =	shalt  }
0x59: {  	_ =	shalt  }
0x5a: {  	_ =	shalt  }
0x5b: {  	_ =	shalt  }
0x5c: {  	_ =	shalt  }
0x5d: {  	_ =	shalt  }
0x5e: {  	_ =	shalt  }
0x5f: {  	_ =	shalt  }
0x60: {  	_ =	shalt  }
0x61: {  	_ =	shalt  }
0x62: {  	_ =	shalt  }
0x63: {  	_ =	shalt  }
0x64: {  	_ =	shalt  }
0x65: {  	_ =	shalt  }
0x66: {  	_ =	shalt  }
0x67: {  	_ =	shalt  }
0x68: {  	_ =	shalt  }
0x69: {  	_ =	shalt  }
0x6a: {  	_ =	shalt  }
0x6b: {  	_ =	shalt  }
0x6c: {  	_ =	shalt  }
0x6d: {  	_ =	shalt  }
0x6e: {  	_ =	shalt  }
0x6f: {  	_ =	shalt  }
0x70: {  	_ =	shalt  }
0x71: {  	_ =	shalt  }
0x72: {  	_ =	shalt  }
0x73: {  	_ =	shalt  }
0x74: {  	_ =	shalt  }
0x75: {  	_ =	shalt  }
0x76: {  	_ =	shalt  }
0x77: {  	_ =	shalt  }
0x78: {  	_ =	shalt  }
0x79: {  	_ =	shalt  }
0x7a: {  	_ =	shalt  }
0x7b: {  	_ =	shalt  }
0x7c: {  	_ =	shalt  }
0x7d: {  	_ =	shalt  }
0x7e: {  	_ =	shalt  }
0x7f: {  	_ =	shalt  }
0x80: {  	_ =	shalt  }
0x81: {  	_ =	shalt  }
0x82: {  	_ =	shalt  }
0x83: {  	_ =	shalt  }
0x84: {  	_ =	shalt  }
0x85: {  	_ =	shalt  }
0x86: {  	_ =	shalt  }
0x87: {  	_ =	shalt  }
.Lfunc_end0:
.L_simem_size_0:
called_computation_lowered:
.L_overlay_start_0:
0x88: {  	s2 =	sld [smem:$0x3FD9]  }
0x89: {  	s3 =	sld [smem:$0x3FFE];
	_ =	sdelay $0x1  }
0x8a: {  	s1 =	srdreg.scid  }
0x8b: {  	s0 =	sand.u32 $0x1, s1  }
0x8c: {  	s17 =	sshll.u32 s0, $0xA;
	s2 =	sadd.s32 s3, s2  }
0x8d: {  	s2 =	sadd.s32 s2, s17  }
0x8e: {  	[smem:$0x3FC0] =	sst s2  }
0x8f: {  	_ = 	snop  }
0x90: {  	s2 =	sld [smem:$0x3FC9]  }
0x91: {  	s18 =	sld [smem:$0x3FD0];
	(tm) =	ssettm $0x1  }
0x92: {  	s4 =	sld [smem:$0x3FFB];
	_ =	sdelay $0x3  }
0x93: {  	_ =	strace s4  }
0x94: {  	s4 =	sld [smem:$0x3FFC];
	_ =	sdelay $0x3  }
0x95: {  	_ =	strace s4  }
0x96: {  	s4 =	sld [smem:$0x3FFD];
	_ =	sdelay $0x3  }
0x97: {  	_ =	strace s4  }
0x98: {  	_ =	strace $0x8FFFFFFF  }
0x99: {  	s19 =	sld [smem:$0x3FDB];
	_ =	sdelay $0x1  }
0x9a: {  	s5 =	simm.s32 $_scs_section_size  }
0x9b: {  	s6 =	simm.s32 $_size__tile_overlayer_lowered;
	s7 =	simm.s32 $_tile_overlayer_lowered  }
0x9c: {  	s22 =	simm.s32 $0x1BFF;
	s21 =	sshll.u32 s7, $0x1;
	s4 =	sadd.s32 s5, s19  }
0x9d: {  	s8 =	simm.s32 $0x0;
	s20 =	sshll.u32 s6, $0x1;
	s6 =	sadd.s32 s21, s4  }
0x9e: {  	[timem:s8], [sflag:s22] =	dma.local [hbm:s6], s20  }
0x9f: {  	_ =	swait.ge [sflag:s22], s20  }
0xa0: {  	s5 =	ssub.s32 $0x0, s20;
	[sflag:s22] =	ssyncset.done $0x0  }
0xa1: {  	[sflag:s22] =	ssyncadd.s32 s5;
	_ =	sdelay $0x1  }
0xa2: {  	s23 =	simm.s32 $0x1B8B  }
0xa3: {  	_ =	swait.ge [sflag:s23], $0x1  }
0xa4: {  	[sflag:s23] =	ssyncset.done $0x0  }
0xa5: {  	s25 =	simm.s32 $0x1B8E;
	s24 =	sld [smem:$0x3FFE];
	[sflag:s23] =	ssyncadd.s32 $0xFFFFFFFF  }
0xa6: {  	s26 =	simm.s32 $execute0_lowered;
	[smem:$0x3FD2] =	sst s25  }
0xa7: {  	s6 =	sshll.u32 s26, $0x1;
	_ =	strace $0x80000046;
	[dreg:$0x1] =	wrdreg $0xFFFFFFFF  }
0xa8: {  	s28 =	simm.s32 $_size_execute0_lowered;
	s4 =	sadd.s32 s4, s6;
	[dreg:$0x0] =	wrdreg $0x0  }
0xa9: {  	s6 =	sshll.u32 s28, $0x1;
	[dreg:$0x2] =	wrdreg s4  }
0xaa: {  	[dreg:$0x3] =	wrdreg s6  }
0xab: {  	[dreg:$0x4] =	wrdreg $0xC0  }
0xac: {  	_ =	task [dreg:s8], $0x5FFFF  }
0xad: {  	[dreg:$0x1] =	wrdreg $0xFFFFFFFF  }
0xae: {  	[dreg:$0x0] =	wrdreg $0x60  }
0xaf: {  	[dreg:$0x2] =	wrdreg s2  }
0xb0: {  	[dreg:$0x3] =	wrdreg s18  }
0xb1: {  	[dreg:$0x4] =	wrdreg s24  }
0xb2: {  	[dreg:$0x5] =	wrdreg $0xAC800  }
0xb3: {  	[dreg:$0x6] =	wrdreg $0x1E8800  }
0xb4: {  	[dreg:$0x7] =	wrdreg $0x9  }
0xb5: {  	_ =	task.clear_ibuf [dreg:s8], $0x8FFFF;
	_ =	strace $0x90000046  }
0xb6: {  	s29 =	simm.s32 $0x9;
	_ =	strace $0x80000048  }
0xb7: {  	_ =	swait.ge [sflag:s29], $0x1  }
0xb8: {  	[sflag:s29] =	ssyncadd.s32 $0xFFFFFFFF  }
0xb9: {  	_ =	strace $0x90000048  }
0xba: {  	_ =	sfence  }
0xbb: {  	s30 =	sld [smem:$0x0];
	_ =	sdelay $0x2  }
0xbc: {  	s31 =	sshll.u32 s1, $0xD;
	s1 =	sshrl.u32 s1, $0x2  }
0xbd: {  	s3 =	sand.u32 $0x4000, s31;
	s1 =	sadd.s32 s1, s30  }
0xbe: {  	s0 =	sor.u32 s3, s0;
	s1 =	sshll.u32 s1, $0x11  }
0xbf: {  	s0 =	sor.u32 s1, s0  }
0xc0: {  	s0 =	sadd.s32 $0x8F2B, s0  }
0xc1: {  	[sflag:s0] =	ssyncadd.remote.s32 $0x1  }
0xc2: {  	_ =	sfence.sel $0xFFFF  }
0xc3: {  	[dreg:$0x0] =	wrdreg $0xFFFFFFFF;
	(pc) =	sbr.abs _section_cstart, $3  }
0xc4: {  	[dreg:$0x1] =	wrdreg $0xFFFFFFFF  }
0xc5: {  	_ =	task.clear_ibuf [dreg:s8], $0x2FFFF;
	_ =	strace $0x9FFFFFFF  }
0xc6: {  	(tm) =	ssettm $0x7FFFFFFF  }
0xc7: {  	_ =	shalt  }
tec
execute0_lowered:
.L_overlay_start_1:
0x0: {  	(tag) =	ssettag $0x1  }
0x1: {  	s1 =	rddreg [dreg:$0x0]  }
0x2: {  	s0 =	rddreg [dreg:$0x1]  }
0x3: {  	s5 =	rddreg [dreg:$0x2]  }
0x4: {  	s2 =	rddreg [dreg:$0x3]  }
0x5: {  	s3 =	rddreg [dreg:$0x4]  }
0x6: {  	s4 =	simm.s32 $0x0;
	s6 =	srdreg.scid;
	s18 =	stileid.u32  }
0x7: {  	s28 =	simm.s32 $0xA800;
	s29 =	simm.s32 $0x5;
	s30 =	simm.s32 $0x2800  }
0x8: {  	s31 =	simm.s32 $0xA880;
	[smem:$0x7FF] =	sst s4;
	s7 =	sadd.s32 $0x1000, s5  }
0x9: {  	s6 =	sand.u32 $0x1, s6;
	s10 =	smul.u32 $0x13C00, s18;
	s11 =	sadd.s32 $0x3800, s5  }
0xa: {  	_ =	strace $0x80000047;
	[dreg:$0x6] =	wrdreg s7;
	s7 =	sadd.s32 $0x1600, s5  }
0xb: {  	s8 =	sshll.u32 s6, $0x4;
	s9 =	ssub.s32 $0x2, s6;
	s16 =	smul.u32 $0x13C000, s6  }
0xc: {  	p1 =	seq.s32 s6, $0x1;
	s6 =	sadd.s32 $0x1880, s5;
	s8 =	sor.u32 s18, s8  }
0xd: {  	s12 =	sshrl.u32 s9, $0x1;
	s14 =	sadd.s32 $0x4000, s10;
	s15 =	sadd.s32 $0x8000, s10  }
0xe: {  	s23 =	sadd.s32 $0xC000, s10;
	s24 =	sadd.s32 $0x10000, s10;
	s13 =	smul.u32 $0x2800, s8  }
0xf: {  	s9 =	ssub.s32 s9, s12;
	s12 =	smul.u32 $0x4F000, s18;
	p0 =	seq.s32 s8, $0x1F  }
0x10: {  	s10 =	sadd.s32 s10, s16;
	s22 =	sadd.s32 s16, s15;
	s25 =	sadd.s32 s16, s23  }
0x11: {  	s26 =	sadd.s32 s16, s24;
	s23 =	sadd.s32 s23, s2;
	s24 =	sadd.s32 s24, s2  }
0x12: {  	s8 =	sshrl.u32 s25, $0x3;
	s25 =	sshll.u32 s18, $0xA;
	s13 =	sshrl.u32 s13, $0x3  }
0x13: {  	s8 =	sadd.s32 s11, s8;
	s25 =	sadd.s32 s25, s3;
	s17 =	sadd.s32 s0, s13  }
0x14: {  	s0 =	sshrl.u32 s10, $0x3;
	s13 =	sadd.s32 s16, s14;
	s10 =	sadd.s32 $0x1280, s5  }
0x15: {  	[dreg:$0xd] =	wrdreg s8;
	s16 =	sshrl.u32 s26, $0x3;
	s26 =	smax.u32 s9, $0x1  }
0x16: {  	s8 =	simm.s32 $0x3;
	s9 =	simm.s32 $0x4;
	s19 =	sadd.s32 $0x280, s17  }
0x17: {  	s20 =	sadd.s32 $0x9F00, s17;
	s0 =	sadd.s32 s11, s0;
	[dreg:$0x7] =	wrdreg s17  }
0x18: {  	s21 =	sshrl.u32 s13, $0x3;
	s17 =	sadd.s32 $0x9C80, s17;
	[dreg:$0x13] =	wrdreg s26  }
0x19: {  	s13 =	simm.s32 $0x1480;
	[dreg:$0xa] =	wrdreg s0;
	s0 =	sadd.s32 s11, s21  }
0x1a: {  	s19 =	smov.u32 @p0 s10;
	s20 =	smov.u32 @p0 s6;
	s17 =	smov.u32 @p0 s7  }
0x1b: {  	s21 =	sadd.s32 $0x1E00, s5;
	s6 =	simm.s32 $0x6800;
	[dreg:$0xb] =	wrdreg s0  }
0x1c: {  	s10 =	simm.s32 $0x1;
	s7 =	simm.s32 $0x0;
	[dreg:$0x8] =	wrdreg s19  }
0x1d: {  	s0 =	sshrl.u32 s22, $0x3;
	s19 =	sshll.u32 s18, $0x7;
	[dreg:$0x9] =	wrdreg s20  }
0x1e: {  	s20 =	sadd.s32 $0x2000, s5;
	[dreg:$0x11] =	wrdreg s21;
	s22 =	sshrl.u32 s12, $0x2  }
0x1f: {  	s21 =	sadd.s32 s14, s2;
	s12 =	simm.s32 $0x2;
	s0 =	sadd.s32 s11, s0  }
0x20: {  	s14 =	simm.s32 $0x180;
	[dreg:$0xc] =	wrdreg s0;
	s0 =	sadd.s32 s11, s16  }
.Ltmp0:
0x21: {  	[dreg:$0xe] =	wrdreg s0;
	s0 =	simm.s32 $0x3000;
	(pc) =	sbr.rel .LBB2_1-.Ltmp0, $4  }
0x22: {  	[dreg:$0xf] =	wrdreg s20;
	s20 =	sadd.s32 s22, s2;
	s0 =	simm.s32 @!p1 $0x2800  }
0x23: {  	s22 =	sadd.s32 s15, s2;
	s0 =	sadd.s32 s0, s5;
	s5 =	sadd.s32 $0x1C00, s5  }
0x24: {  	s11 =	simm.s32 $0x100;
	s0 =	sadd.s32 s0, s19;
	[dreg:$0x12] =	wrdreg s5  }
0x25: {  	s5 =	simm.s32 $0x80;
	[dreg:$0x10] =	wrdreg s0;
	s0 =	simm.s32 $0x1400  }
.LBB2_7:
0x26: {  	_ =	swait.ge [sflag:s8], $0x80  }
0x27: {  	[sflag:s8] =	ssyncset.done $0x0  }
0x28: {  	[sflag:s8] =	ssyncadd.s32 $0xFFFFFF80  }
0x29: {  	_ =	swait.ge [sflag:s9], $0x80  }
0x2a: {  	[sflag:s9] =	ssyncset.done $0x0  }
0x2b: {  	[sflag:s9] =	ssyncadd.s32 $0xFFFFFF80  }
0x2c: {  	[bflag:$0x0] =	sbarrier.arrive $0xFFFF  }
0x2d: {  	[tilespmem:s30], [sflag:$0x5] =	stream.linear.gather [spmem:s20], $0x4000, $0x38;
	[tilespmem:$0x1EC80] =	vst v63  }
0x2e: {  	_ =	swait.ge [sflag:s29], $0x4000  }
0x2f: {  	[sflag:s29] =	ssyncset.done $0x0  }
0x30: {  	s15 =	rddreg [dreg:$0xa];
	[sflag:s29] =	ssyncadd.s32 $0xFFFFC000  }
0x31: {  	[hbm4b:s15+s4] =	stream.linear.scatter [tilespmem:s30], [sflag:$0x5], $0x4000, $0x38;
	[tilespmem:$0x1EC80] =	vst v63  }
0x32: {  	_ =	swait.ge [sflag:s29], $0x4000  }
0x33: {  	[sflag:s29] =	ssyncset.done $0x0  }
0x34: {  	[sflag:s29] =	ssyncadd.s32 $0xFFFFC000  }
0x35: {  	[tilespmem:s30], [sflag:$0x5] =	stream.linear.gather [spmem:s21], $0x4000, $0x38;
	[tilespmem:$0x1EC80] =	vst v63  }
0x36: {  	_ =	swait.ge [sflag:s29], $0x4000  }
0x37: {  	[sflag:s29] =	ssyncset.done $0x0  }
0x38: {  	s19 =	rddreg [dreg:$0xb];
	[sflag:s29] =	ssyncadd.s32 $0xFFFFC000  }
0x39: {  	[hbm4b:s19+s4] =	stream.linear.scatter [tilespmem:s30], [sflag:$0x5], $0x4000, $0x38;
	[tilespmem:$0x1EC80] =	vst v63  }
0x3a: {  	_ =	swait.ge [sflag:s29], $0x4000  }
0x3b: {  	[sflag:s29] =	ssyncset.done $0x0  }
0x3c: {  	[sflag:s29] =	ssyncadd.s32 $0xFFFFC000  }
0x3d: {  	[tilespmem:s30], [sflag:$0x5] =	stream.linear.gather [spmem:s22], $0x4000, $0x38;
	[tilespmem:$0x1EC80] =	vst v63  }
0x3e: {  	_ =	swait.ge [sflag:s29], $0x4000  }
0x3f: {  	[sflag:s29] =	ssyncset.done $0x0  }
0x40: {  	s26 =	rddreg [dreg:$0xc];
	[sflag:s29] =	ssyncadd.s32 $0xFFFFC000  }
0x41: {  	[hbm4b:s26+s4] =	stream.linear.scatter [tilespmem:s30], [sflag:$0x5], $0x4000, $0x38;
	[tilespmem:$0x1EC80] =	vst v63  }
0x42: {  	_ =	swait.ge [sflag:s29], $0x4000  }
0x43: {  	[sflag:s29] =	ssyncset.done $0x0  }
0x44: {  	[sflag:s29] =	ssyncadd.s32 $0xFFFFC000  }
0x45: {  	[tilespmem:s30], [sflag:$0x5] =	stream.linear.gather [spmem:s23], $0x4000, $0x38;
	[tilespmem:$0x1EC80] =	vst v63  }
0x46: {  	_ =	swait.ge [sflag:s29], $0x4000  }
0x47: {  	[sflag:s29] =	ssyncset.done $0x0  }
0x48: {  	s16 =	rddreg [dreg:$0xd];
	[sflag:s29] =	ssyncadd.s32 $0xFFFFC000  }
0x49: {  	[hbm4b:s16+s4] =	stream.linear.scatter [tilespmem:s30], [sflag:$0x5], $0x4000, $0x38;
	[tilespmem:$0x1EC80] =	vst v63  }
0x4a: {  	_ =	swait.ge [sflag:s29], $0x4000  }
0x4b: {  	[sflag:s29] =	ssyncset.done $0x0  }
0x4c: {  	[sflag:s29] =	ssyncadd.s32 $0xFFFFC000  }
0x4d: {  	[tilespmem:s30], [sflag:$0x5] =	stream.linear.gather [spmem:s24], $0x3C00, $0x38;
	[tilespmem:$0x1EC80] =	vst v63  }
0x4e: {  	_ =	swait.ge [sflag:s29], $0x3C00  }
0x4f: {  	[sflag:s29] =	ssyncset.done $0x0  }
0x50: {  	s18 =	rddreg [dreg:$0xe];
	[sflag:s29] =	ssyncadd.s32 $0xFFFFC400  }
0x51: {  	[hbm4b:s18+s4] =	stream.linear.scatter [tilespmem:s30], [sflag:$0x5], $0x3C00, $0x38;
	[tilespmem:$0x1EC80] =	vst v63  }
0x52: {  	_ =	swait.ge [sflag:s29], $0x3C00  }
0x53: {  	[sflag:s29] =	ssyncset.done $0x0  }
0x54: {  	[sflag:s29] =	ssyncadd.s32 $0xFFFFC400  }
0x55: {  	[tilespmem:s31], [sflag:$0x5] =	stream.linear.gather [spmem:s25], $0x400, $0x38;
	[tilespmem:$0x1EC80] =	vst v63  }
0x56: {  	_ =	swait.ge [sflag:s29], $0x400  }
0x57: {  	[sflag:s29] =	ssyncset.done $0x0  }
0x58: {  	s19 =	rddreg [dreg:$0x10];
	[sflag:s29] =	ssyncadd.s32 $0xFFFFFC00  }
0x59: {  	[hbm4b:s19+s4] =	stream.linear.scatter [tilespmem:s31], [sflag:$0x5], $0x400, $0x38;
	[tilespmem:$0x1EC80] =	vst v63  }
0x5a: {  	_ =	swait.ge [sflag:s29], $0x400  }
0x5b: {  	s7 =	sadd.s32 $0x1, s7;
	s26 =	rddreg [dreg:$0x13]  }
0x5c: {  	p1 =	sne.s32 s7, s26  }
.Ltmp1:
0x5d: {  	_ = 	snop;
	(pc) =	sbr.rel @!p1 .LBB2_8-.Ltmp1, $3  }
0x5e: {  	_ =	sdelay $0x1  }
0x5f: {  	[sflag:s29] =	ssyncset.done $0x0  }
0x60: {  	[sflag:s29] =	ssyncadd.s32 $0xFFFFFC00  }
.LBB2_1:
0x61: {  	s15 =	rddreg [dreg:$0x12]  }
0x62: {  	[tilespmem:s28], [sflag:$0x5] =	stream.linear.gather [hbm4b:s15+s4], $0x80, $0x38;
	[tilespmem:$0x1EC80] =	vst v63  }
0x63: {  	_ =	swait.ge [sflag:s29], $0x80  }
0x64: {  	[sflag:s29] =	ssyncset.done $0x0  }
0x65: {  	s19 =	rddreg [dreg:$0xf];
	[sflag:s29] =	ssyncadd.s32 $0xFFFFFF80  }
0x66: {  	[tilespmem:s30], [sflag:$0x5] =	stream.linear.gather [hbm4b:s19+s4], $0x4000, $0x38;
	[tilespmem:$0x1EC80] =	vst v63  }
0x67: {  	_ =	swait.ge [sflag:s29], $0x4000  }
0x68: {  	[sflag:s29] =	ssyncset.done $0x0  }
0x69: {  	[sflag:s29] =	ssyncadd.s32 $0xFFFFC000  }
0x6a: {  	[spmem:s20] =	stream.linear.scatter [tilespmem:s30], [sflag:$0x5], $0x4000, $0x38;
	[tilespmem:$0x1EC80] =	vst v63  }
0x6b: {  	_ =	swait.ge [sflag:s29], $0x4000  }
0x6c: {  	[sflag:s29] =	ssyncset.done $0x0  }
0x6d: {  	[sflag:s29] =	ssyncadd.s32 $0xFFFFC000  }
0x6e: {  	[spmem:s21] =	stream.linear.scatter [tilespmem:s30], [sflag:$0x5], $0x4000, $0x38;
	[tilespmem:$0x1EC80] =	vst v63  }
0x6f: {  	_ =	swait.ge [sflag:s29], $0x4000  }
0x70: {  	[sflag:s29] =	ssyncset.done $0x0  }
0x71: {  	[sflag:s29] =	ssyncadd.s32 $0xFFFFC000  }
0x72: {  	[spmem:s22] =	stream.linear.scatter [tilespmem:s30], [sflag:$0x5], $0x4000, $0x38;
	[tilespmem:$0x1EC80] =	vst v63  }
0x73: {  	_ =	swait.ge [sflag:s29], $0x4000  }
0x74: {  	[sflag:s29] =	ssyncset.done $0x0  }
0x75: {  	[sflag:s29] =	ssyncadd.s32 $0xFFFFC000  }
0x76: {  	[spmem:s23] =	stream.linear.scatter [tilespmem:s30], [sflag:$0x5], $0x4000, $0x38;
	[tilespmem:$0x1EC80] =	vst v63  }
0x77: {  	_ =	swait.ge [sflag:s29], $0x4000  }
0x78: {  	[sflag:s29] =	ssyncset.done $0x0  }
0x79: {  	[sflag:s29] =	ssyncadd.s32 $0xFFFFC000  }
0x7a: {  	[spmem:s24] =	stream.linear.scatter [tilespmem:s30], [sflag:$0x5], $0x3C00, $0x38;
	[tilespmem:$0x1EC80] =	vst v63  }
0x7b: {  	_ =	swait.ge [sflag:s29], $0x3C00  }
0x7c: {  	[sflag:s29] =	ssyncset.done $0x0  }
0x7d: {  	s26 =	rddreg [dreg:$0x11];
	[sflag:s29] =	ssyncadd.s32 $0xFFFFC400  }
0x7e: {  	[tilespmem:s31], [sflag:$0x5] =	stream.linear.gather [hbm4b:s26+s4], $0x400, $0x38;
	[tilespmem:$0x1EC80] =	vst v63  }
0x7f: {  	_ =	swait.ge [sflag:s29], $0x400  }
0x80: {  	[sflag:s29] =	ssyncset.done $0x0  }
0x81: {  	[sflag:s29] =	ssyncadd.s32 $0xFFFFFC00  }
0x82: {  	[spmem:s25] =	stream.linear.scatter [tilespmem:s31], [sflag:$0x5], $0x400, $0x38;
	[tilespmem:$0x1EC80] =	vst v63  }
0x83: {  	_ =	swait.ge [sflag:s29], $0x400  }
0x84: {  	[sflag:s29] =	ssyncset.done $0x0  }
0x85: {  	[sflag:s29] =	ssyncadd.s32 $0xFFFFFC00  }
0x86: {  	[bflag:$0x0] =	sbarrier.arrive $0xFFFF  }
0x87: {  	s15 =	simm.s32 @p0 $0x0;
	s16 =	rddreg [dreg:$0x6]  }
0x88: {  	[tilespmem:s15], [sflag:$0x5] =	stream.linear.gather @p0 [hbm4b:s16+s15], $0x1400, $0x38;
	[tilespmem:$0x1EC80] =	vst v63  }
0x89: {  	s15 =	simm.s32 @p0 $0x5  }
0x8a: {  	_ =	swait.ge @p0 [sflag:s15], $0x1400  }
0x8b: {  	[sflag:s15] =	ssyncset.done @p0 $0x0  }
0x8c: {  	s16 =	rddreg [dreg:$0x7];
	[sflag:s15] =	ssyncadd.s32 @p0 $0xFFFFEC00;
	s15 =	simm.s32 @!p0 $0x0  }
0x8d: {  	[tilespmem:s15], [sflag:$0x5] =	stream.linear.gather @!p0 [hbm4b:s16+s15], $0x1400, $0x38;
	[tilespmem:$0x1EC80] =	vst v63  }
0x8e: {  	s15 =	simm.s32 @!p0 $0x5  }
0x8f: {  	_ =	swait.ge @!p0 [sflag:s15], $0x1400  }
0x90: {  	[sflag:s15] =	ssyncset.done @!p0 $0x0  }
0x91: {  	[sflag:s15] =	ssyncadd.s32 @!p0 $0xFFFFEC00  }
0x92: {  	[tilespmem:s0], [sflag:$0x5] =	stream.linear.gather [hbm4b:s17+s4], $0x1400, $0x38;
	[tilespmem:$0x1EC80] =	vst v63  }
0x93: {  	_ =	swait.ge [sflag:s29], $0x1400  }
0x94: {  	[sflag:s29] =	ssyncset.done $0x0  }
0x95: {  	[sflag:s29] =	ssyncadd.s32 $0xFFFFEC00  }
0x96: {  	[tilespmem:s30], [sflag:$0x1] =	stream.indirect.gather [hbm4b:s1+s5], $0x80, s4, s5, $0xb8;
	[tilespmem:$0x1EC80] =	vst v63  }
0x97: {  	_ = 	snop  }
0x98: {  	[tilespmem:s6], [sflag:$0x2] =	stream.indirect.gather [hbm4b:s1+s5], $0x80, s5, s5, $0xb8;
	[tilespmem:$0x1EC80] =	vst v63  }
0x99: {  	_ =	swait.ge [sflag:s10], $0x4000  }
0x9a: {  	[sflag:s10] =	ssyncset.done $0x0  }
0x9b: {  	[sflag:s10] =	ssyncadd.s32 $0xFFFFC000  }
0x9c: {  	[spmem:s3] =	stream.indirect.scatter.add.f32 [tilespmem:s28], [sflag:$0x3], $0x1, s0, s5, $0xb8;
	[tilespmem:$0x1EC80] =	vst v63  }
0x9d: {  	_ = 	snop  }
0x9e: {  	[spmem:s2] =	stream.indirect.scatter.add.f32 [tilespmem:s30], [sflag:$0x5], $0x80, s0, s5, $0xb8;
	[tilespmem:$0x1EC80] =	vst v63  }
0x9f: {  	_ =	swait.ge [sflag:s29], $0x4000  }
0xa0: {  	[sflag:s29] =	ssyncset.done $0x0  }
0xa1: {  	[sflag:s29] =	ssyncadd.s32 $0xFFFFC000  }
0xa2: {  	[tilespmem:s30], [sflag:$0x1] =	stream.indirect.gather [hbm4b:s1+s5], $0x80, s11, s5, $0xb8;
	[tilespmem:$0x1EC80] =	vst v63  }
0xa3: {  	_ =	swait.ge [sflag:s12], $0x4000  }
0xa4: {  	[sflag:s12] =	ssyncset.done $0x0  }
0xa5: {  	[sflag:s12] =	ssyncadd.s32 $0xFFFFC000  }
0xa6: {  	[spmem:s3] =	stream.indirect.scatter.add.f32 [tilespmem:s28], [sflag:$0x4], $0x1, s13, s5, $0xb8;
	[tilespmem:$0x1EC80] =	vst v63  }
0xa7: {  	_ = 	snop  }
0xa8: {  	[spmem:s2] =	stream.indirect.scatter.add.f32 [tilespmem:s6], [sflag:$0x5], $0x80, s13, s5, $0xb8;
	[tilespmem:$0x1EC80] =	vst v63  }
0xa9: {  	_ =	swait.ge [sflag:s29], $0x4000  }
0xaa: {  	[sflag:s29] =	ssyncset.done $0x0  }
0xab: {  	s15 =	simm.s32 $0xFFFFB800;
	[sflag:s29] =	ssyncadd.s32 $0xFFFFC000  }
0xac: {  	[tilespmem:s6], [sflag:$0x2] =	stream.indirect.gather [hbm4b:s1+s5], $0x80, s14, s5, $0xb8;
	[tilespmem:$0x1EC80] =	vst v63  }
.LBB2_2:
0xad: {  	_ =	swait.ge [sflag:s10], $0x4000  }
0xae: {  	[sflag:s10] =	ssyncset.done $0x0  }
0xaf: {  	[sflag:s10] =	ssyncadd.s32 $0xFFFFC000  }
0xb0: {  	_ =	swait.ge [sflag:s8], $0x80  }
0xb1: {  	s16 =	sshra.s32 s15, $0x2;
	[sflag:s8] =	ssyncset.done $0x0  }
0xb2: {  	s18 =	sadd.s32 $0x2700, s16;
	[sflag:s8] =	ssyncadd.s32 $0xFFFFFF80  }
0xb3: {  	[spmem:s3] =	stream.indirect.scatter.add.f32 [tilespmem:s28], [sflag:$0x3], $0x1, s18, s5, $0xb8;
	[tilespmem:$0x1EC80] =	vst v63  }
0xb4: {  	_ = 	snop  }
0xb5: {  	[spmem:s2] =	stream.indirect.scatter.add.f32 [tilespmem:s30], [sflag:$0x5], $0x80, s18, s5, $0xb8;
	[tilespmem:$0x1EC80] =	vst v63  }
0xb6: {  	p1 =	seq.s32 s15, $0x0;
	_ =	swait.ge [sflag:s29], $0x4000  }
0xb7: {  	s19 =	simm.s32 @!p1 $0x80;
	s18 =	sshra.s32 @!p1 s15, $0x2;
	[sflag:s29] =	ssyncset.done $0x0  }
0xb8: {  	s26 =	simm.s32 @!p1 $0x2800;
	s18 =	sadd.s32 @!p1 $0x1400, s18;
	[sflag:s29] =	ssyncadd.s32 $0xFFFFC000  }
0xb9: {  	[tilespmem:s26], [sflag:$0x1] =	stream.indirect.gather @!p1 [hbm4b:s1+s19], $0x80, s18, s19, $0xb8;
	[tilespmem:$0x1EC80] =	vst v63  }
0xba: {  	_ =	swait.ge [sflag:s12], $0x4000  }
0xbb: {  	[sflag:s12] =	ssyncset.done $0x0  }
0xbc: {  	[sflag:s12] =	ssyncadd.s32 $0xFFFFC000  }
0xbd: {  	_ =	swait.ge [sflag:s9], $0x80  }
0xbe: {  	[sflag:s9] =	ssyncset.done $0x0  }
0xbf: {  	s26 =	sadd.s32 $0x2780, s16;
	[sflag:s9] =	ssyncadd.s32 $0xFFFFFF80  }
0xc0: {  	[spmem:s3] =	stream.indirect.scatter.add.f32 [tilespmem:s28], [sflag:$0x4], $0x1, s26, s5, $0xb8;
	[tilespmem:$0x1EC80] =	vst v63  }
.Ltmp2:
0xc1: {  	_ = 	snop;
	(pc) =	sbr.rel @p1 .LBB2_4-.Ltmp2, $4  }
0xc2: {  	[spmem:s2] =	stream.indirect.scatter.add.f32 [tilespmem:s6], [sflag:$0x5], $0x80, s26, s5, $0xb8;
	[tilespmem:$0x1EC80] =	vst v63  }
0xc3: {  	_ =	swait.ge [sflag:s29], $0x4000  }
0xc4: {  	[sflag:s29] =	ssyncset.done $0x0  }
0xc5: {  	[sflag:s29] =	ssyncadd.s32 $0xFFFFC000  }
.Ltmp3:
0xc6: {  	(pc) =	sbr.rel .LBB2_2-.Ltmp3, $3  }
0xc7: {  	_ =	sdelay $0x1  }
0xc8: {  	s16 =	sadd.s32 $0x1480, s16;
	s15 =	sadd.s32 $0x400, s15  }
0xc9: {  	[tilespmem:s6], [sflag:$0x2] =	stream.indirect.gather [hbm4b:s1+s5], $0x80, s16, s5, $0xb8;
	[tilespmem:$0x1EC80] =	vst v63  }
.LBB2_4:
0xca: {  	_ =	swait.ge [sflag:s8], $0x80  }
0xcb: {  	[sflag:s8] =	ssyncset.done $0x0  }
0xcc: {  	[sflag:s8] =	ssyncadd.s32 $0xFFFFFF80  }
0xcd: {  	_ =	swait.ge [sflag:s9], $0x80  }
0xce: {  	[sflag:s9] =	ssyncset.done $0x0  }
0xcf: {  	s15 =	rddreg [dreg:$0x8];
	[sflag:s9] =	ssyncadd.s32 $0xFFFFFF80  }
0xd0: {  	[tilespmem:s4], [sflag:$0x5] =	stream.linear.gather [hbm4b:s15+s4], $0x1400, $0x38;
	[tilespmem:$0x1EC80] =	vst v63  }
0xd1: {  	_ =	swait.ge [sflag:s29], $0x1400  }
0xd2: {  	[sflag:s29] =	ssyncset.done $0x0  }
0xd3: {  	s26 =	rddreg [dreg:$0x9];
	[sflag:s29] =	ssyncadd.s32 $0xFFFFEC00  }
0xd4: {  	[tilespmem:s0], [sflag:$0x5] =	stream.linear.gather [hbm4b:s26+s4], $0x1400, $0x38;
	[tilespmem:$0x1EC80] =	vst v63  }
0xd5: {  	_ =	swait.ge [sflag:s29], $0x1400  }
0xd6: {  	[sflag:s29] =	ssyncset.done $0x0  }
0xd7: {  	[sflag:s29] =	ssyncadd.s32 $0xFFFFEC00  }
0xd8: {  	[tilespmem:s30], [sflag:$0x1] =	stream.indirect.gather [hbm4b:s1+s5], $0x80, s4, s5, $0xb8;
	[tilespmem:$0x1EC80] =	vst v63  }
0xd9: {  	_ = 	snop  }
0xda: {  	[tilespmem:s6], [sflag:$0x2] =	stream.indirect.gather [hbm4b:s1+s5], $0x80, s5, s5, $0xb8;
	[tilespmem:$0x1EC80] =	vst v63  }
0xdb: {  	_ =	swait.ge [sflag:s10], $0x4000  }
0xdc: {  	[sflag:s10] =	ssyncset.done $0x0  }
0xdd: {  	[sflag:s10] =	ssyncadd.s32 $0xFFFFC000  }
0xde: {  	[spmem:s3] =	stream.indirect.scatter.add.f32 [tilespmem:s28], [sflag:$0x3], $0x1, s0, s5, $0xb8;
	[tilespmem:$0x1EC80] =	vst v63  }
0xdf: {  	_ = 	snop  }
0xe0: {  	[spmem:s2] =	stream.indirect.scatter.add.f32 [tilespmem:s30], [sflag:$0x5], $0x80, s0, s5, $0xb8;
	[tilespmem:$0x1EC80] =	vst v63  }
0xe1: {  	_ =	swait.ge [sflag:s29], $0x4000  }
0xe2: {  	[sflag:s29] =	ssyncset.done $0x0  }
0xe3: {  	[sflag:s29] =	ssyncadd.s32 $0xFFFFC000  }
0xe4: {  	[tilespmem:s30], [sflag:$0x1] =	stream.indirect.gather [hbm4b:s1+s5], $0x80, s11, s5, $0xb8;
	[tilespmem:$0x1EC80] =	vst v63  }
0xe5: {  	_ =	swait.ge [sflag:s12], $0x4000  }
0xe6: {  	[sflag:s12] =	ssyncset.done $0x0  }
0xe7: {  	[sflag:s12] =	ssyncadd.s32 $0xFFFFC000  }
0xe8: {  	[spmem:s3] =	stream.indirect.scatter.add.f32 [tilespmem:s28], [sflag:$0x4], $0x1, s13, s5, $0xb8;
	[tilespmem:$0x1EC80] =	vst v63  }
0xe9: {  	_ = 	snop  }
0xea: {  	[spmem:s2] =	stream.indirect.scatter.add.f32 [tilespmem:s6], [sflag:$0x5], $0x80, s13, s5, $0xb8;
	[tilespmem:$0x1EC80] =	vst v63  }
0xeb: {  	_ =	swait.ge [sflag:s29], $0x4000  }
0xec: {  	[sflag:s29] =	ssyncset.done $0x0  }
0xed: {  	s15 =	simm.s32 $0xFFFFB800;
	[sflag:s29] =	ssyncadd.s32 $0xFFFFC000  }
0xee: {  	[tilespmem:s6], [sflag:$0x2] =	stream.indirect.gather [hbm4b:s1+s5], $0x80, s14, s5, $0xb8;
	[tilespmem:$0x1EC80] =	vst v63  }
.LBB2_5:
0xef: {  	_ =	swait.ge [sflag:s10], $0x4000  }
0xf0: {  	[sflag:s10] =	ssyncset.done $0x0  }
0xf1: {  	[sflag:s10] =	ssyncadd.s32 $0xFFFFC000  }
0xf2: {  	_ =	swait.ge [sflag:s8], $0x80  }
0xf3: {  	s16 =	sshra.s32 s15, $0x2;
	[sflag:s8] =	ssyncset.done $0x0  }
0xf4: {  	s18 =	sadd.s32 $0x2700, s16;
	[sflag:s8] =	ssyncadd.s32 $0xFFFFFF80  }
0xf5: {  	[spmem:s3] =	stream.indirect.scatter.add.f32 [tilespmem:s28], [sflag:$0x3], $0x1, s18, s5, $0xb8;
	[tilespmem:$0x1EC80] =	vst v63  }
0xf6: {  	_ = 	snop  }
0xf7: {  	[spmem:s2] =	stream.indirect.scatter.add.f32 [tilespmem:s30], [sflag:$0x5], $0x80, s18, s5, $0xb8;
	[tilespmem:$0x1EC80] =	vst v63  }
0xf8: {  	p1 =	seq.s32 s15, $0x0;
	_ =	swait.ge [sflag:s29], $0x4000  }
0xf9: {  	s19 =	simm.s32 @!p1 $0x80;
	s18 =	sshra.s32 @!p1 s15, $0x2;
	[sflag:s29] =	ssyncset.done $0x0  }
0xfa: {  	s26 =	simm.s32 @!p1 $0x2800;
	s18 =	sadd.s32 @!p1 $0x1400, s18;
	[sflag:s29] =	ssyncadd.s32 $0xFFFFC000  }
0xfb: {  	[tilespmem:s26], [sflag:$0x1] =	stream.indirect.gather @!p1 [hbm4b:s1+s19], $0x80, s18, s19, $0xb8;
	[tilespmem:$0x1EC80] =	vst v63  }
0xfc: {  	_ =	swait.ge [sflag:s12], $0x4000  }
0xfd: {  	[sflag:s12] =	ssyncset.done $0x0  }
0xfe: {  	[sflag:s12] =	ssyncadd.s32 $0xFFFFC000  }
0xff: {  	_ =	swait.ge [sflag:s9], $0x80  }
0x100: {  	[sflag:s9] =	ssyncset.done $0x0  }
0x101: {  	s26 =	sadd.s32 $0x2780, s16;
	[sflag:s9] =	ssyncadd.s32 $0xFFFFFF80  }
0x102: {  	[spmem:s3] =	stream.indirect.scatter.add.f32 [tilespmem:s28], [sflag:$0x4], $0x1, s26, s5, $0xb8;
	[tilespmem:$0x1EC80] =	vst v63  }
.Ltmp4:
0x103: {  	_ = 	snop;
	(pc) =	sbr.rel @p1 .LBB2_7-.Ltmp4, $4  }
0x104: {  	[spmem:s2] =	stream.indirect.scatter.add.f32 [tilespmem:s6], [sflag:$0x5], $0x80, s26, s5, $0xb8;
	[tilespmem:$0x1EC80] =	vst v63  }
0x105: {  	_ =	swait.ge [sflag:s29], $0x4000  }
0x106: {  	[sflag:s29] =	ssyncset.done $0x0  }
0x107: {  	[sflag:s29] =	ssyncadd.s32 $0xFFFFC000  }
.Ltmp5:
0x108: {  	(pc) =	sbr.rel .LBB2_5-.Ltmp5, $3  }
0x109: {  	_ =	sdelay $0x1  }
0x10a: {  	s16 =	sadd.s32 $0x1480, s16;
	s15 =	sadd.s32 $0x400, s15  }
0x10b: {  	[tilespmem:s6], [sflag:$0x2] =	stream.indirect.gather [hbm4b:s1+s5], $0x80, s16, s5, $0xb8;
	[tilespmem:$0x1EC80] =	vst v63  }
.LBB2_8:
0x10c: {  	_ =	sfence.sel $0x180000  }
0x10d: {  	[bflag:$0x0] =	sbarrier.arrive $0xFFFF  }
0x10e: {  	_ =	strace $0x90000047  }
0x10f: {  	s0 =	stileid.u32;
	[bflag:$0x2] =	sbarrier.arrive $0xFFFF  }
0x110: {  	p0 =	sne.s32 s0, $0x0;
	s0 =	rddreg [dreg:$0x5]  }
0x111: {  	s0 =	sadd.s32 @!p0 $0x100000, s0  }
0x112: {  	[sflag:s0] =	ssyncadd.tile.s32 @!p0 $0x1;
	_ =	shalt  }
.Lfunc_end2:
_tile_overlayer_lowered:
.L_overlay_start_2:
0x113: {  	(tag) =	ssettag $0x2  }
0x114: {  	s0 =	rddreg [dreg:$0x0];
	s2 =	stileid.u32  }
0x115: {  	s1 =	rddreg [dreg:$0x1];
	p0 =	sne.s32 s2, $0x0  }
0x116: {  	s3 =	rddreg [dreg:$0x2];
	[bflag:$0x3] =	sbarrier.arrive $0xFFFF;
	s2 =	simm.s32 @!p0 $0x1C05  }
0x117: {  	[timem:s3], [sflag:s2] =	dma.local @!p0 [hbm:s0], s1  }
0x118: {  	s0 =	simm.s32 @!p0 $0x5  }
0x119: {  	_ =	swait.ge @!p0 [sflag:s0], s1  }
0x11a: {  	s1 =	ssub.s32 @!p0 $0x0, s1;
	[sflag:s0] =	ssyncset.done @!p0 $0x0  }
0x11b: {  	[sflag:s0] =	ssyncadd.s32 @!p0 s1  }
0x11c: {  	[bflag:$0x3] =	sbarrier.arrive $0xFFFF  }
0x11d: {  	_ =	shalt  }

</sc_bundles>
